<compile_context>
chip_gen: v7x
topology: tpu7x:2x2x1
jax: 0.10.2.dev20260603
libtpu: 0.0.44.dev20260713+nightly
codegen_flags: <defaults>
</compile_context>

<pallas_src>
import functools

import jax
import jax.numpy as jnp
from jax import lax
from jax.experimental import pallas as pl
from jax.experimental.pallas import tpu as pltpu
from jax.experimental.pallas import tpu_sc as plsc

B, C, D = 32, 100000, 64
K = D // 2
P = 0.5
BC = 16384
NB = -(-C // BC)
SCL = 16
VPR = C // SCL
UNROLL = 10


def _dropout_const():
    dk = jax.random.fold_in(jax.random.key(42), 7)
    keep = jax.random.bernoulli(dk, 1.0 - P, (B, K))
    return keep.astype(jnp.float32) / (1.0 - P)



_SC_MESH = plsc.VectorSubcoreMesh(core_axis_name="c", subcore_axis_name="s")


@functools.partial(
    pl.kernel,
    mesh=_SC_MESH,
    out_type=jax.ShapeDtypeStruct((B, SCL), jnp.float32),
    scratch_types=[
        pltpu.VMEM((C,), jnp.float32),
        pltpu.VMEM((SCL,), jnp.float32),
    ],
)
def _sc_rowsum_exp(logits_hbm, out_hbm, buf, svec):
    nc = lax.psum(1, "c")
    wid = lax.axis_index("s") * nc + lax.axis_index("c")
    pltpu.sync_copy(logits_hbm.at[wid], buf)

    def step(i, accs):
        new = []
        for j in range(UNROLL):
            v = buf[pl.ds((i * UNROLL + j) * SCL, SCL)]
            new.append(accs[j] + jnp.exp(v))
        return tuple(new)

    zero = jnp.zeros((SCL,), jnp.float32)
    accs = lax.fori_loop(0, VPR // UNROLL, step, (zero,) * UNROLL)
    total = accs[0]
    for j in range(1, UNROLL):
        total = total + accs[j]
    svec[...] = total
    pltpu.sync_copy(svec, out_hbm.at[wid])



def _tc_body(feat_ref, w_ref, bias_ref, s16_ref, out0_ref, drop_ref, res_ref):
    i = pl.program_id(0)
    feat = feat_ref[...]
    w_blk = w_ref[...]
    full = lax.dot_general(feat, w_blk, (((1,), (1,)), ((), ())),
                           preferred_element_type=jnp.float32)
    plain = full + bias_ref[...]
    res_ref[...] = plain

    @pl.when(i == NB - 1)
    def _fixup():
        s = jnp.sum(s16_ref[...], axis=1, keepdims=True)
        h = jnp.exp(out0_ref[...]) / s

        eye = (lax.broadcasted_iota(jnp.int32, (B, B), 0)
               == lax.broadcasted_iota(jnp.int32, (B, B), 1)).astype(jnp.float32)
        hrow = jnp.sum(eye * h, axis=0, keepdims=True)
        bcol = lax.broadcasted_iota(jnp.int32, (B, B), 0)
        brow = lax.broadcasted_iota(jnp.int32, (B, B), 1)
        gt = (hrow > h).astype(jnp.int32)
        eq_lo = ((hrow == h) & (brow < bcol)).astype(jnp.int32)
        rank = jnp.sum(gt + eq_lo, axis=1, keepdims=True)

        rank_oh = (rank == brow).astype(jnp.float32)
        drow = lax.dot_general(rank_oh, drop_ref[...], (((1,), (0,)), ((), ())),
                               preferred_element_type=jnp.float32)

        w32 = w_blk[0:B, :]
        lane = lax.broadcasted_iota(jnp.int32, (B, D), 1)
        erank = jnp.zeros((B, D), jnp.int32)
        for dp in range(D):
            colv = w32[:, dp:dp + 1]
            erank = erank + (colv > w32).astype(jnp.int32)
            erank = erank + ((colv == w32) & (lane > dp)).astype(jnp.int32)

        maskval = jnp.ones((B, D), jnp.float32)
        for j in range(K):
            maskval = jnp.where(erank == j, drow[:, j:j + 1], maskval)

        wm = w32 * maskval
        fix = lax.dot_general(feat, wm, (((1,), (1,)), ((), ())),
                              preferred_element_type=jnp.float32)
        sel = (lax.broadcasted_iota(jnp.int32, (B, 128), 0)
               == lax.broadcasted_iota(jnp.int32, (B, 128), 1)).astype(jnp.float32)
        fixw = lax.dot_general(fix, sel, (((1,), (0,)), ((), ())),
                               preferred_element_type=jnp.float32)
        lane128 = lax.broadcasted_iota(jnp.int32, (B, 128), 1)
        res_ref[:, 0:128] = jnp.where(lane128 < B, fixw, plain[:, 0:128])


def kernel(features, output, weight, bias):
    dropped = _dropout_const()
    bias2d = bias.reshape(1, C)
    s16 = _sc_rowsum_exp(output)
    out0 = lax.slice(output, (0, 0), (B, 1))
    shift = lambda i: (i + 1) % NB
    return pl.pallas_call(
        _tc_body,
        grid=(NB,),
        in_specs=[
            pl.BlockSpec((B, D), lambda i: (0, 0)),
            pl.BlockSpec((BC, D), lambda i: (shift(i), 0)),
            pl.BlockSpec((1, BC), lambda i: (0, shift(i))),
            pl.BlockSpec((B, SCL), lambda i: (0, 0)),
            pl.BlockSpec((B, 1), lambda i: (0, 0)),
            pl.BlockSpec((B, K), lambda i: (0, 0)),
        ],
        out_specs=pl.BlockSpec((B, BC), lambda i: (0, shift(i))),
        out_shape=jax.ShapeDtypeStruct((B, C), jnp.float32),
    )(features, weight, bias2d, s16, out0, dropped)

# --- scband reference (transcript-rebuilt; emitter-appended) ---
"""Pipeline reference for scband-camdropout-80831284511094 (READ-ONLY COPY).

The authoritative reference and input builder live on the scoring server;
editing this copy changes nothing except your own understanding.
"""

import jax, jax.numpy as jnp
import numpy as np

B, C, D = 32, 100000, 64
P = 0.5


def setup_inputs(seed: int = 0) -> dict:
    key = jax.random.key(seed)
    k1, k2, k3, k4 = jax.random.split(key, 4)
    return {
        "features": jax.random.normal(k1, (B, D), dtype=jnp.float32),
        "output": jax.random.normal(k2, (B, C), dtype=jnp.float32),
        "weight": jax.random.normal(k3, (C, D), dtype=jnp.float32) * 0.02,
        "bias": jax.random.normal(k4, (C,), dtype=jnp.float32) * 0.02,
    }


def _dropout_on_ones(shape, p):
    # F.dropout on a tensor of ones (training=True default): keep w.p. (1-p), scale by 1/(1-p)
    dk = jax.random.fold_in(jax.random.key(42), 7)
    keep = jax.random.bernoulli(dk, 1.0 - p, shape)
    return keep.astype(jnp.float32) / (1.0 - p)


def reference(features, output, weight, bias):
    # _discriminative_idx
    h_x = jax.nn.softmax(output, axis=1)  # [B, C]; squeeze is a no-op for B>1
    idx = jnp.argsort(-h_x, axis=0)  # torch sort(0, descending=True) indices, [B, C]
    rows = idx[:, 0]  # [B], values in [0, B) -> valid rows of weight since B <= C
    cam_weight = weight[rows, :]  # gather rows, [B, D]
    k = int(round(D * 0.5))
    _, topk_idx = jax.lax.top_k(cam_weight, k)  # [B, k]

    # build masks
    mask = jnp.ones((C, D), dtype=jnp.float32)
    mask_b = jnp.ones((C,), dtype=jnp.float32)
    dropped = _dropout_on_ones((B, k), P)  # F.dropout(mask[idx, topk_idx], p)
    mask = mask.at[rows[:, None], topk_idx].set(dropped)  # scatter-overwrite [B, k] elems
    mask_b = mask_b.at[rows].set(0.0)

    # F.linear(features, weight * mask, bias * mask_b)
    res = features @ (weight * mask).T + bias * mask_b  # [B, C]
    return res

if __name__ == "__main__":
    import jax
    _d = setup_inputs()
    print(jax.jit(kernel)(*tuple(_d.values())))

</pallas_src>

<mosaic_0001>
#map = affine_map<(d0, d1) -> (0, 0)>
module attributes {stable_mosaic.version = 14 : i64} {
  func.func @_sc_rowsum_exp(%arg0: i32, %arg1: i32, %arg2: memref<32x100000xf32, #tpu.memory_space<hbm>>, %arg3: memref<32x16xf32, #tpu.memory_space<hbm>>, %arg4: memref<100000xf32, #tpu.memory_space<vmem>>, %arg5: memref<16xf32, #tpu.memory_space<vmem>>) attributes {dimension_semantics = [#tpu.dimension_semantics<core_parallel>, #tpu.dimension_semantics<subcore_parallel>], iteration_bounds = array<i64: 2, 16>, scalar_prefetch = 0 : i64, scratch_operands = 2 : i64, tpu.core_type = #tpu.core_type<sc_vector_subcore>, window_params = [{transform_indices = #map}, {transform_indices = #map}]} {
    %mul3A = arith.constant 2 : i32
    %mul3A_0 = arith.muli %arg1, %mul3A : i32
    %add3A = arith.addi %mul3A_0, %arg0 : i32
    "tpu.region"() ({
      %run_scoped3A = tpu.sem_alloc : memref<!tpu.dma_semaphore, #tpu.memory_space<semaphore_mem>>
      %dma_start3A = arith.constant 0 : i32
      %dma_start3A_19 = tpu.memref_slice %arg2[%add3A, %dma_start3A] : memref<32x100000xf32, #tpu.memory_space<hbm>> -> memref<1x100000xf32, #tpu.memory_space<hbm>>
      %dma_start3A_20 = tpu.memref_squeeze %dma_start3A_19 : memref<1x100000xf32, #tpu.memory_space<hbm>> -> memref<100000xf32, #tpu.memory_space<hbm>>
      %dma_start3A_21 = arith.constant 0 : i32
      %dma_start3A_22 = tpu.memref_slice %arg2[%add3A, %dma_start3A_21] : memref<32x100000xf32, #tpu.memory_space<hbm>> -> memref<1x100000xf32, #tpu.memory_space<hbm>>
      %dma_start3A_23 = tpu.memref_squeeze %dma_start3A_22 : memref<1x100000xf32, #tpu.memory_space<hbm>> -> memref<100000xf32, #tpu.memory_space<hbm>>
      tpu.enqueue_dma source(%dma_start3A_23 : memref<100000xf32, #tpu.memory_space<hbm>>) target(%arg4 : memref<100000xf32, #tpu.memory_space<vmem>>) target_semaphore(%run_scoped3A : memref<!tpu.dma_semaphore, #tpu.memory_space<semaphore_mem>>)
      %dma_wait3A = arith.constant 0 : i32
      %dma_wait3A_24 = tpu.memref_slice %arg2[%add3A, %dma_wait3A] : memref<32x100000xf32, #tpu.memory_space<hbm>> -> memref<1x100000xf32, #tpu.memory_space<hbm>>
      %dma_wait3A_25 = tpu.memref_squeeze %dma_wait3A_24 : memref<1x100000xf32, #tpu.memory_space<hbm>> -> memref<100000xf32, #tpu.memory_space<hbm>>
      %dma_wait3A_26 = arith.constant 0 : i32
      %dma_wait3A_27 = tpu.memref_slice %arg2[%add3A, %dma_wait3A_26] : memref<32x100000xf32, #tpu.memory_space<hbm>> -> memref<1x100000xf32, #tpu.memory_space<hbm>>
      %dma_wait3A_28 = tpu.memref_squeeze %dma_wait3A_27 : memref<1x100000xf32, #tpu.memory_space<hbm>> -> memref<100000xf32, #tpu.memory_space<hbm>>
      tpu.wait_dma2 semaphore(%run_scoped3A : memref<!tpu.dma_semaphore, #tpu.memory_space<semaphore_mem>>) src(%dma_wait3A_28 : memref<100000xf32, #tpu.memory_space<hbm>>) dst(%arg4 : memref<100000xf32, #tpu.memory_space<vmem>>)
      tpu.yield
    }) : () -> ()
    %broadcast_in_dim3A = arith.constant 0.000000e+00 : f32
    %broadcast_in_dim3A_1 = vector.broadcast %broadcast_in_dim3A : f32 to vector<16xf32>
    %scan3A = arith.constant 0 : i32
    %scan3A_2 = arith.constant 625 : i32
    %scan3A_3 = arith.addi %scan3A, %scan3A_2 : i32
    %scan3A_4 = arith.constant 1 : i32
    %scan3A_5:10 = scf.for %scan3A_19 = %scan3A to %scan3A_3 step %scan3A_4 iter_args(%scan3A_20 = %broadcast_in_dim3A_1, %scan3A_21 = %broadcast_in_dim3A_1, %scan3A_22 = %broadcast_in_dim3A_1, %scan3A_23 = %broadcast_in_dim3A_1, %scan3A_24 = %broadcast_in_dim3A_1, %scan3A_25 = %broadcast_in_dim3A_1, %scan3A_26 = %broadcast_in_dim3A_1, %scan3A_27 = %broadcast_in_dim3A_1, %scan3A_28 = %broadcast_in_dim3A_1, %scan3A_29 = %broadcast_in_dim3A_1) -> (vector<16xf32>, vector<16xf32>, vector<16xf32>, vector<16xf32>, vector<16xf32>, vector<16xf32>, vector<16xf32>, vector<16xf32>, vector<16xf32>, vector<16xf32>)  : i32 {
      %mul3A_30 = arith.constant 10 : i32
      %mul3A_31 = arith.muli %scan3A_19, %mul3A_30 : i32
      %add3A_32 = arith.constant 0 : i32
      %add3A_33 = arith.addi %mul3A_31, %add3A_32 : i32
      %mul3A_34 = arith.constant 16 : i32
      %mul3A_35 = arith.muli %add3A_33, %mul3A_34 : i32
      %get3A = arith.index_cast %mul3A_35 : i32 to index
      %get3A_36 = tpu.vector_load %arg4[%get3A] {strides = array<i32>} : memref<100000xf32, #tpu.memory_space<vmem>>, vector<16xf32>,
      %get3A_37 = vector.shape_cast %get3A_36 : vector<16xf32> to vector<16xf32>
      %exp3A = math.exp %get3A_37 : vector<16xf32>
      %add3A_38 = arith.addf %scan3A_20, %exp3A : vector<16xf32>
      %mul3A_39 = arith.constant 10 : i32
      %mul3A_40 = arith.muli %scan3A_19, %mul3A_39 : i32
      %add3A_41 = arith.constant 1 : i32
      %add3A_42 = arith.addi %mul3A_40, %add3A_41 : i32
      %mul3A_43 = arith.constant 16 : i32
      %mul3A_44 = arith.muli %add3A_42, %mul3A_43 : i32
      %get3A_45 = arith.index_cast %mul3A_44 : i32 to index
      %get3A_46 = tpu.vector_load %arg4[%get3A_45] {strides = array<i32>} : memref<100000xf32, #tpu.memory_space<vmem>>, vector<16xf32>,
      %get3A_47 = vector.shape_cast %get3A_46 : vector<16xf32> to vector<16xf32>
      %exp3A_48 = math.exp %get3A_47 : vector<16xf32>
      %add3A_49 = arith.addf %scan3A_21, %exp3A_48 : vector<16xf32>
      %mul3A_50 = arith.constant 10 : i32
      %mul3A_51 = arith.muli %scan3A_19, %mul3A_50 : i32
      %add3A_52 = arith.constant 2 : i32
      %add3A_53 = arith.addi %mul3A_51, %add3A_52 : i32
      %mul3A_54 = arith.constant 16 : i32
      %mul3A_55 = arith.muli %add3A_53, %mul3A_54 : i32
      %get3A_56 = arith.index_cast %mul3A_55 : i32 to index
      %get3A_57 = tpu.vector_load %arg4[%get3A_56] {strides = array<i32>} : memref<100000xf32, #tpu.memory_space<vmem>>, vector<16xf32>,
      %get3A_58 = vector.shape_cast %get3A_57 : vector<16xf32> to vector<16xf32>
      %exp3A_59 = math.exp %get3A_58 : vector<16xf32>
      %add3A_60 = arith.addf %scan3A_22, %exp3A_59 : vector<16xf32>
      %mul3A_61 = arith.constant 10 : i32
      %mul3A_62 = arith.muli %scan3A_19, %mul3A_61 : i32
      %add3A_63 = arith.constant 3 : i32
      %add3A_64 = arith.addi %mul3A_62, %add3A_63 : i32
      %mul3A_65 = arith.constant 16 : i32
      %mul3A_66 = arith.muli %add3A_64, %mul3A_65 : i32
      %get3A_67 = arith.index_cast %mul3A_66 : i32 to index
      %get3A_68 = tpu.vector_load %arg4[%get3A_67] {strides = array<i32>} : memref<100000xf32, #tpu.memory_space<vmem>>, vector<16xf32>,
      %get3A_69 = vector.shape_cast %get3A_68 : vector<16xf32> to vector<16xf32>
      %exp3A_70 = math.exp %get3A_69 : vector<16xf32>
      %add3A_71 = arith.addf %scan3A_23, %exp3A_70 : vector<16xf32>
      %mul3A_72 = arith.constant 10 : i32
      %mul3A_73 = arith.muli %scan3A_19, %mul3A_72 : i32
      %add3A_74 = arith.constant 4 : i32
      %add3A_75 = arith.addi %mul3A_73, %add3A_74 : i32
      %mul3A_76 = arith.constant 16 : i32
      %mul3A_77 = arith.muli %add3A_75, %mul3A_76 : i32
      %get3A_78 = arith.index_cast %mul3A_77 : i32 to index
      %get3A_79 = tpu.vector_load %arg4[%get3A_78] {strides = array<i32>} : memref<100000xf32, #tpu.memory_space<vmem>>, vector<16xf32>,
      %get3A_80 = vector.shape_cast %get3A_79 : vector<16xf32> to vector<16xf32>
      %exp3A_81 = math.exp %get3A_80 : vector<16xf32>
      %add3A_82 = arith.addf %scan3A_24, %exp3A_81 : vector<16xf32>
      %mul3A_83 = arith.constant 10 : i32
      %mul3A_84 = arith.muli %scan3A_19, %mul3A_83 : i32
      %add3A_85 = arith.constant 5 : i32
      %add3A_86 = arith.addi %mul3A_84, %add3A_85 : i32
      %mul3A_87 = arith.constant 16 : i32
      %mul3A_88 = arith.muli %add3A_86, %mul3A_87 : i32
      %get3A_89 = arith.index_cast %mul3A_88 : i32 to index
      %get3A_90 = tpu.vector_load %arg4[%get3A_89] {strides = array<i32>} : memref<100000xf32, #tpu.memory_space<vmem>>, vector<16xf32>,
      %get3A_91 = vector.shape_cast %get3A_90 : vector<16xf32> to vector<16xf32>
      %exp3A_92 = math.exp %get3A_91 : vector<16xf32>
      %add3A_93 = arith.addf %scan3A_25, %exp3A_92 : vector<16xf32>
      %mul3A_94 = arith.constant 10 : i32
      %mul3A_95 = arith.muli %scan3A_19, %mul3A_94 : i32
      %add3A_96 = arith.constant 6 : i32
      %add3A_97 = arith.addi %mul3A_95, %add3A_96 : i32
      %mul3A_98 = arith.constant 16 : i32
      %mul3A_99 = arith.muli %add3A_97, %mul3A_98 : i32
      %get3A_100 = arith.index_cast %mul3A_99 : i32 to index
      %get3A_101 = tpu.vector_load %arg4[%get3A_100] {strides = array<i32>} : memref<100000xf32, #tpu.memory_space<vmem>>, vector<16xf32>,
      %get3A_102 = vector.shape_cast %get3A_101 : vector<16xf32> to vector<16xf32>
      %exp3A_103 = math.exp %get3A_102 : vector<16xf32>
      %add3A_104 = arith.addf %scan3A_26, %exp3A_103 : vector<16xf32>
      %mul3A_105 = arith.constant 10 : i32
      %mul3A_106 = arith.muli %scan3A_19, %mul3A_105 : i32
      %add3A_107 = arith.constant 7 : i32
      %add3A_108 = arith.addi %mul3A_106, %add3A_107 : i32
      %mul3A_109 = arith.constant 16 : i32
      %mul3A_110 = arith.muli %add3A_108, %mul3A_109 : i32
      %get3A_111 = arith.index_cast %mul3A_110 : i32 to index
      %get3A_112 = tpu.vector_load %arg4[%get3A_111] {strides = array<i32>} : memref<100000xf32, #tpu.memory_space<vmem>>, vector<16xf32>,
      %get3A_113 = vector.shape_cast %get3A_112 : vector<16xf32> to vector<16xf32>
      %exp3A_114 = math.exp %get3A_113 : vector<16xf32>
      %add3A_115 = arith.addf %scan3A_27, %exp3A_114 : vector<16xf32>
      %mul3A_116 = arith.constant 10 : i32
      %mul3A_117 = arith.muli %scan3A_19, %mul3A_116 : i32
      %add3A_118 = arith.constant 8 : i32
      %add3A_119 = arith.addi %mul3A_117, %add3A_118 : i32
      %mul3A_120 = arith.constant 16 : i32
      %mul3A_121 = arith.muli %add3A_119, %mul3A_120 : i32
      %get3A_122 = arith.index_cast %mul3A_121 : i32 to index
      %get3A_123 = tpu.vector_load %arg4[%get3A_122] {strides = array<i32>} : memref<100000xf32, #tpu.memory_space<vmem>>, vector<16xf32>,
      %get3A_124 = vector.shape_cast %get3A_123 : vector<16xf32> to vector<16xf32>
      %exp3A_125 = math.exp %get3A_124 : vector<16xf32>
      %add3A_126 = arith.addf %scan3A_28, %exp3A_125 : vector<16xf32>
      %mul3A_127 = arith.constant 10 : i32
      %mul3A_128 = arith.muli %scan3A_19, %mul3A_127 : i32
      %add3A_129 = arith.constant 9 : i32
      %add3A_130 = arith.addi %mul3A_128, %add3A_129 : i32
      %mul3A_131 = arith.constant 16 : i32
      %mul3A_132 = arith.muli %add3A_130, %mul3A_131 : i32
      %get3A_133 = arith.index_cast %mul3A_132 : i32 to index
      %get3A_134 = tpu.vector_load %arg4[%get3A_133] {strides = array<i32>} : memref<100000xf32, #tpu.memory_space<vmem>>, vector<16xf32>,
      %get3A_135 = vector.shape_cast %get3A_134 : vector<16xf32> to vector<16xf32>
      %exp3A_136 = math.exp %get3A_135 : vector<16xf32>
      %add3A_137 = arith.addf %scan3A_29, %exp3A_136 : vector<16xf32>
      scf.yield %add3A_38, %add3A_49, %add3A_60, %add3A_71, %add3A_82, %add3A_93, %add3A_104, %add3A_115, %add3A_126, %add3A_137 : vector<16xf32>, vector<16xf32>, vector<16xf32>, vector<16xf32>, vector<16xf32>, vector<16xf32>, vector<16xf32>, vector<16xf32>, vector<16xf32>, vector<16xf32>
    }
    %scan3A_6 = arith.constant 625 : i32
    %add3A_7 = arith.addf %scan3A_5#0, %scan3A_5#1 : vector<16xf32>
    %add3A_8 = arith.addf %add3A_7, %scan3A_5#2 : vector<16xf32>
    %add3A_9 = arith.addf %add3A_8, %scan3A_5#3 : vector<16xf32>
    %add3A_10 = arith.addf %add3A_9, %scan3A_5#4 : vector<16xf32>
    %add3A_11 = arith.addf %add3A_10, %scan3A_5#5 : vector<16xf32>
    %add3A_12 = arith.addf %add3A_11, %scan3A_5#6 : vector<16xf32>
    %add3A_13 = arith.addf %add3A_12, %scan3A_5#7 : vector<16xf32>
    %add3A_14 = arith.addf %add3A_13, %scan3A_5#8 : vector<16xf32>
    %add3A_15 = arith.addf %add3A_14, %scan3A_5#9 : vector<16xf32>
    %swap3A = arith.constant 0 : index
    %swap3A_16 = tpu.vector_load %arg5[%swap3A] {strides = array<i32>} : memref<16xf32, #tpu.memory_space<vmem>>, vector<16xf32>,
    %swap3A_17 = vector.shape_cast %swap3A_16 : vector<16xf32> to vector<16xf32>
    %swap3A_18 = vector.shape_cast %add3A_15 : vector<16xf32> to vector<16xf32>
    tpu.vector_store %arg5[%swap3A], %swap3A_18 {strides = array<i32>} : memref<16xf32, #tpu.memory_space<vmem>>, vector<16xf32>,
    "tpu.region"() ({
      %run_scoped3A = tpu.sem_alloc : memref<!tpu.dma_semaphore, #tpu.memory_space<semaphore_mem>>
      %dma_start3A = arith.constant 0 : i32
      %dma_start3A_19 = tpu.memref_slice %arg3[%add3A, %dma_start3A] : memref<32x16xf32, #tpu.memory_space<hbm>> -> memref<1x16xf32, #tpu.memory_space<hbm>>
      %dma_start3A_20 = tpu.memref_squeeze %dma_start3A_19 : memref<1x16xf32, #tpu.memory_space<hbm>> -> memref<16xf32, #tpu.memory_space<hbm>>
      %dma_start3A_21 = arith.constant 0 : i32
      %dma_start3A_22 = tpu.memref_slice %arg3[%add3A, %dma_start3A_21] : memref<32x16xf32, #tpu.memory_space<hbm>> -> memref<1x16xf32, #tpu.memory_space<hbm>>
      %dma_start3A_23 = tpu.memref_squeeze %dma_start3A_22 : memref<1x16xf32, #tpu.memory_space<hbm>> -> memref<16xf32, #tpu.memory_space<hbm>>
      tpu.enqueue_dma source(%arg5 : memref<16xf32, #tpu.memory_space<vmem>>) target(%dma_start3A_23 : memref<16xf32, #tpu.memory_space<hbm>>) target_semaphore(%run_scoped3A : memref<!tpu.dma_semaphore, #tpu.memory_space<semaphore_mem>>)
      %dma_wait3A = arith.constant 0 : i32
      %dma_wait3A_24 = tpu.memref_slice %arg3[%add3A, %dma_wait3A] : memref<32x16xf32, #tpu.memory_space<hbm>> -> memref<1x16xf32, #tpu.memory_space<hbm>>
      %dma_wait3A_25 = tpu.memref_squeeze %dma_wait3A_24 : memref<1x16xf32, #tpu.memory_space<hbm>> -> memref<16xf32, #tpu.memory_space<hbm>>
      %dma_wait3A_26 = arith.constant 0 : i32
      %dma_wait3A_27 = tpu.memref_slice %arg3[%add3A, %dma_wait3A_26] : memref<32x16xf32, #tpu.memory_space<hbm>> -> memref<1x16xf32, #tpu.memory_space<hbm>>
      %dma_wait3A_28 = tpu.memref_squeeze %dma_wait3A_27 : memref<1x16xf32, #tpu.memory_space<hbm>> -> memref<16xf32, #tpu.memory_space<hbm>>
      tpu.wait_dma2 semaphore(%run_scoped3A : memref<!tpu.dma_semaphore, #tpu.memory_space<semaphore_mem>>) src(%arg5 : memref<16xf32, #tpu.memory_space<vmem>>) dst(%dma_wait3A_28 : memref<16xf32, #tpu.memory_space<hbm>>)
      tpu.yield
    }) : () -> ()
    return
  }
}

module attributes {stable_mosaic.version = 14 : i64} {
  func.func @_tc_body(%arg0: i32, %arg1: memref<32x64xf32, #tpu.memory_space<vmem>>, %arg2: memref<16384x64xf32, #tpu.memory_space<vmem>>, %arg3: memref<1x16384xf32, #tpu.memory_space<vmem>>, %arg4: memref<32x16xf32, #tpu.memory_space<vmem>>, %arg5: memref<32x1xf32, #tpu.memory_space<vmem>>, %arg6: memref<32x32xf32, #tpu.memory_space<vmem>>, %arg7: memref<32x16384xf32, #tpu.memory_space<vmem>>) attributes {dimension_semantics = [#tpu.dimension_semantics<arbitrary>], iteration_bounds = array<i64: 7>, scalar_prefetch = 0 : i64, scratch_operands = 0 : i64, tpu.core_type = #tpu.core_type<tc>, window_params = [{pipeline_mode = #tpu.pipeline_mode<synchronous>, transform_indices = @transform_0, window_bounds = array<i64: 32, 64>}, {transform_indices = @transform_1, window_bounds = array<i64: 16384, 64>}, {transform_indices = @transform_2, window_bounds = array<i64: 1, 16384>}, {pipeline_mode = #tpu.pipeline_mode<synchronous>, transform_indices = @transform_3, window_bounds = array<i64: 32, 16>}, {pipeline_mode = #tpu.pipeline_mode<synchronous>, transform_indices = @transform_4, window_bounds = array<i64: 32, 1>}, {pipeline_mode = #tpu.pipeline_mode<synchronous>, transform_indices = @transform_5, window_bounds = array<i64: 32, 32>}, {transform_indices = @transform_6, window_bounds = array<i64: 32, 16384>}]} {
    %get3A = arith.constant 0 : index
    %get3A_0 = arith.constant 0 : index
    %get3A_1 = vector.load %arg1[%get3A, %get3A_0] : memref<32x64xf32, #tpu.memory_space<vmem>>, vector<32x64xf32>
    %get3A_2 = arith.constant 0 : index
    %get3A_3 = arith.constant 0 : index
    %get3A_4 = vector.load %arg2[%get3A_2, %get3A_3] : memref<16384x64xf32, #tpu.memory_space<vmem>>, vector<16384x64xf32>
    %dot_general3A = arith.constant dense<0.000000e+00> : vector<32x16384xf32>
    %dot_general3A_5 = tpu.matmul %get3A_1, %get3A_4, %dot_general3A {dimension_numbers = #tpu.dot_dimension_numbers<[1], [1], [0], [0], [0, 0, 1, 0], [], []>, transpose_lhs_hint = false} : vector<32x64xf32>, vector<16384x64xf32>, vector<32x16384xf32> -> vector<32x16384xf32>
    %get3A_6 = arith.constant 0 : index
    %get3A_7 = arith.constant 0 : index
    %get3A_8 = vector.load %arg3[%get3A_6, %get3A_7] : memref<1x16384xf32, #tpu.memory_space<vmem>>, vector<1x16384xf32>
    %add3A = vector.broadcast %get3A_8 : vector<1x16384xf32> to vector<32x16384xf32>
    %add3A_9 = arith.addf %dot_general3A_5, %add3A : vector<32x16384xf32>
    %swap3A = arith.constant 0 : index
    %swap3A_10 = arith.constant 0 : index
    %swap3A_11 = vector.load %arg7[%swap3A, %swap3A_10] : memref<32x16384xf32, #tpu.memory_space<vmem>>, vector<32x16384xf32>
    tpu.vector_store %arg7[%swap3A, %swap3A_10], %add3A_9 {strides = array<i32>} : memref<32x16384xf32, #tpu.memory_space<vmem>>, vector<32x16384xf32>,
    %eq3A = arith.constant 6 : i32
    %eq3A_12 = arith.cmpi eq, %arg0, %eq3A : i32
    %convert_element_type3A = arith.extui %eq3A_12 : i1 to i32
    %cond3A = arith.constant 0 : i32
    %cond3A_13 = arith.cmpi ne, %convert_element_type3A, %cond3A : i32
    scf.if %cond3A_13 {
      %get3A_14 = arith.constant 0 : index
      %get3A_15 = arith.constant 0 : index
      %get3A_16 = vector.load %arg4[%get3A_14, %get3A_15] : memref<32x16xf32, #tpu.memory_space<vmem>>, vector<32x16xf32>
      %reduce_sum3A = arith.constant dense<0.000000e+00> : vector<32xf32>
      %reduce_sum3A_17 = vector.multi_reduction <add>, %get3A_16, %reduce_sum3A [1] : vector<32x16xf32> to vector<32xf32>
      %broadcast_in_dim3A = vector.shape_cast %reduce_sum3A_17 : vector<32xf32> to vector<32x1xf32>
      %get3A_18 = arith.constant 0 : index
      %get3A_19 = arith.constant 0 : index
      %get3A_20 = vector.load %arg5[%get3A_18, %get3A_19] : memref<32x1xf32, #tpu.memory_space<vmem>>, vector<32x1xf32>
      %exp3A = math.exp %get3A_20 : vector<32x1xf32>
      %div3A = arith.divf %exp3A, %broadcast_in_dim3A : vector<32x1xf32>
      %iota3A = tpu.iota {dimensions = array<i32: 0>} : vector<32x32xi32>
      %iota3A_21 = tpu.iota {dimensions = array<i32: 1>} : vector<32x32xi32>
      %eq3A_22 = arith.cmpi eq, %iota3A, %iota3A_21 : vector<32x32xi32>
      %convert_element_type3A_23 = arith.extui %eq3A_22 : vector<32x32xi1> to vector<32x32xi32>
      %convert_element_type3A_24 = arith.sitofp %convert_element_type3A_23 : vector<32x32xi32> to vector<32x32xf32>
      %mul3A = vector.broadcast %div3A : vector<32x1xf32> to vector<32x32xf32>
      %mul3A_25 = arith.mulf %convert_element_type3A_24, %mul3A : vector<32x32xf32>
      %reduce_sum3A_26 = arith.constant dense<0.000000e+00> : vector<32xf32>
      %reduce_sum3A_27 = vector.multi_reduction <add>, %mul3A_25, %reduce_sum3A_26 [0] : vector<32x32xf32> to vector<32xf32>
      %broadcast_in_dim3A_28 = vector.shape_cast %reduce_sum3A_27 : vector<32xf32> to vector<1x32xf32>
      %iota3A_29 = tpu.iota {dimensions = array<i32: 0>} : vector<32x32xi32>
      %iota3A_30 = tpu.iota {dimensions = array<i32: 1>} : vector<32x32xi32>
      %gt3A = vector.broadcast %broadcast_in_dim3A_28 : vector<1x32xf32> to vector<32x32xf32>
      %gt3A_31 = vector.broadcast %div3A : vector<32x1xf32> to vector<32x32xf32>
      %gt3A_32 = arith.cmpf ogt, %gt3A, %gt3A_31 : vector<32x32xf32>
      %convert_element_type3A_33 = arith.extui %gt3A_32 : vector<32x32xi1> to vector<32x32xi32>
      %eq3A_34 = vector.broadcast %broadcast_in_dim3A_28 : vector<1x32xf32> to vector<32x32xf32>
      %eq3A_35 = vector.broadcast %div3A : vector<32x1xf32> to vector<32x32xf32>
      %eq3A_36 = arith.cmpf oeq, %eq3A_34, %eq3A_35 : vector<32x32xf32>
      %lt3A = arith.cmpi slt, %iota3A_30, %iota3A_29 : vector<32x32xi32>
      %and3A = arith.andi %eq3A_36, %lt3A : vector<32x32xi1>
      %convert_element_type3A_37 = arith.extui %and3A : vector<32x32xi1> to vector<32x32xi32>
      %add3A_38 = arith.addi %convert_element_type3A_33, %convert_element_type3A_37 : vector<32x32xi32>
      %reduce_sum3A_39 = arith.constant dense<0> : vector<32xi32>
      %reduce_sum3A_40 = vector.multi_reduction <add>, %add3A_38, %reduce_sum3A_39 [1] : vector<32x32xi32> to vector<32xi32>
      %broadcast_in_dim3A_41 = vector.shape_cast %reduce_sum3A_40 : vector<32xi32> to vector<32x1xi32>
      %eq3A_42 = vector.broadcast %broadcast_in_dim3A_41 : vector<32x1xi32> to vector<32x32xi32>
      %eq3A_43 = arith.cmpi eq, %eq3A_42, %iota3A_30 : vector<32x32xi32>
      %convert_element_type3A_44 = arith.extui %eq3A_43 : vector<32x32xi1> to vector<32x32xi32>
      %convert_element_type3A_45 = arith.sitofp %convert_element_type3A_44 : vector<32x32xi32> to vector<32x32xf32>
      %get3A_46 = arith.constant 0 : index
      %get3A_47 = arith.constant 0 : index
      %get3A_48 = vector.load %arg6[%get3A_46, %get3A_47] : memref<32x32xf32, #tpu.memory_space<vmem>>, vector<32x32xf32>
      %dot_general3A_49 = arith.constant dense<0.000000e+00> : vector<32x32xf32>
      %dot_general3A_50 = tpu.matmul %convert_element_type3A_45, %get3A_48, %dot_general3A_49 {dimension_numbers = #tpu.dot_dimension_numbers<[1], [0], [0], [1], [0, 0, 1, 1], [], []>, transpose_lhs_hint = false} : vector<32x32xf32>, vector<32x32xf32>, vector<32x32xf32> -> vector<32x32xf32>
      %slice3A = vector.extract_strided_slice %get3A_4 {offsets = [0, 0], sizes = [32, 64], strides = [1, 1]} : vector<16384x64xf32> to vector<32x64xf32>
      %iota3A_51 = tpu.iota {dimensions = array<i32: 1>} : vector<32x64xi32>
      %broadcast_in_dim3A_52 = arith.constant 0 : i32
      %broadcast_in_dim3A_53 = vector.broadcast %broadcast_in_dim3A_52 : i32 to vector<32x64xi32>
      %slice3A_54 = vector.extract_strided_slice %slice3A {offsets = [0, 0], sizes = [32, 1], strides = [1, 1]} : vector<32x64xf32> to vector<32x1xf32>
      %gt3A_55 = vector.broadcast %slice3A_54 : vector<32x1xf32> to vector<32x64xf32>
      %gt3A_56 = arith.cmpf ogt, %gt3A_55, %slice3A : vector<32x64xf32>
      %convert_element_type3A_57 = arith.extui %gt3A_56 : vector<32x64xi1> to vector<32x64xi32>
      %add3A_58 = arith.addi %broadcast_in_dim3A_53, %convert_element_type3A_57 : vector<32x64xi32>
      %eq3A_59 = vector.broadcast %slice3A_54 : vector<32x1xf32> to vector<32x64xf32>
      %eq3A_60 = arith.cmpf oeq, %eq3A_59, %slice3A : vector<32x64xf32>
      %gt3A_61 = arith.constant 0 : i32
      %gt3A_62 = vector.broadcast %gt3A_61 : i32 to vector<32x64xi32>
      %gt3A_63 = arith.cmpi sgt, %iota3A_51, %gt3A_62 : vector<32x64xi32>
      %and3A_64 = arith.andi %eq3A_60, %gt3A_63 : vector<32x64xi1>
      %convert_element_type3A_65 = arith.extui %and3A_64 : vector<32x64xi1> to vector<32x64xi32>
      %add3A_66 = arith.addi %add3A_58, %convert_element_type3A_65 : vector<32x64xi32>
      %slice3A_67 = vector.extract_strided_slice %slice3A {offsets = [0, 1], sizes = [32, 1], strides = [1, 1]} : vector<32x64xf32> to vector<32x1xf32>
      %gt3A_68 = vector.broadcast %slice3A_67 : vector<32x1xf32> to vector<32x64xf32>
      %gt3A_69 = arith.cmpf ogt, %gt3A_68, %slice3A : vector<32x64xf32>
      %convert_element_type3A_70 = arith.extui %gt3A_69 : vector<32x64xi1> to vector<32x64xi32>
      %add3A_71 = arith.addi %add3A_66, %convert_element_type3A_70 : vector<32x64xi32>
      %eq3A_72 = vector.broadcast %slice3A_67 : vector<32x1xf32> to vector<32x64xf32>
      %eq3A_73 = arith.cmpf oeq, %eq3A_72, %slice3A : vector<32x64xf32>
      %gt3A_74 = arith.constant 1 : i32
      %gt3A_75 = vector.broadcast %gt3A_74 : i32 to vector<32x64xi32>
      %gt3A_76 = arith.cmpi sgt, %iota3A_51, %gt3A_75 : vector<32x64xi32>
      %and3A_77 = arith.andi %eq3A_73, %gt3A_76 : vector<32x64xi1>
      %convert_element_type3A_78 = arith.extui %and3A_77 : vector<32x64xi1> to vector<32x64xi32>
      %add3A_79 = arith.addi %add3A_71, %convert_element_type3A_78 : vector<32x64xi32>
      %slice3A_80 = vector.extract_strided_slice %slice3A {offsets = [0, 2], sizes = [32, 1], strides = [1, 1]} : vector<32x64xf32> to vector<32x1xf32>
      %gt3A_81 = vector.broadcast %slice3A_80 : vector<32x1xf32> to vector<32x64xf32>
      %gt3A_82 = arith.cmpf ogt, %gt3A_81, %slice3A : vector<32x64xf32>
      %convert_element_type3A_83 = arith.extui %gt3A_82 : vector<32x64xi1> to vector<32x64xi32>
      %add3A_84 = arith.addi %add3A_79, %convert_element_type3A_83 : vector<32x64xi32>
      %eq3A_85 = vector.broadcast %slice3A_80 : vector<32x1xf32> to vector<32x64xf32>
      %eq3A_86 = arith.cmpf oeq, %eq3A_85, %slice3A : vector<32x64xf32>
      %gt3A_87 = arith.constant 2 : i32
      %gt3A_88 = vector.broadcast %gt3A_87 : i32 to vector<32x64xi32>
      %gt3A_89 = arith.cmpi sgt, %iota3A_51, %gt3A_88 : vector<32x64xi32>
      %and3A_90 = arith.andi %eq3A_86, %gt3A_89 : vector<32x64xi1>
      %convert_element_type3A_91 = arith.extui %and3A_90 : vector<32x64xi1> to vector<32x64xi32>
      %add3A_92 = arith.addi %add3A_84, %convert_element_type3A_91 : vector<32x64xi32>
      %slice3A_93 = vector.extract_strided_slice %slice3A {offsets = [0, 3], sizes = [32, 1], strides = [1, 1]} : vector<32x64xf32> to vector<32x1xf32>
      %gt3A_94 = vector.broadcast %slice3A_93 : vector<32x1xf32> to vector<32x64xf32>
      %gt3A_95 = arith.cmpf ogt, %gt3A_94, %slice3A : vector<32x64xf32>
      %convert_element_type3A_96 = arith.extui %gt3A_95 : vector<32x64xi1> to vector<32x64xi32>
      %add3A_97 = arith.addi %add3A_92, %convert_element_type3A_96 : vector<32x64xi32>
      %eq3A_98 = vector.broadcast %slice3A_93 : vector<32x1xf32> to vector<32x64xf32>
      %eq3A_99 = arith.cmpf oeq, %eq3A_98, %slice3A : vector<32x64xf32>
      %gt3A_100 = arith.constant 3 : i32
      %gt3A_101 = vector.broadcast %gt3A_100 : i32 to vector<32x64xi32>
      %gt3A_102 = arith.cmpi sgt, %iota3A_51, %gt3A_101 : vector<32x64xi32>
      %and3A_103 = arith.andi %eq3A_99, %gt3A_102 : vector<32x64xi1>
      %convert_element_type3A_104 = arith.extui %and3A_103 : vector<32x64xi1> to vector<32x64xi32>
      %add3A_105 = arith.addi %add3A_97, %convert_element_type3A_104 : vector<32x64xi32>
      %slice3A_106 = vector.extract_strided_slice %slice3A {offsets = [0, 4], sizes = [32, 1], strides = [1, 1]} : vector<32x64xf32> to vector<32x1xf32>
      %gt3A_107 = vector.broadcast %slice3A_106 : vector<32x1xf32> to vector<32x64xf32>
      %gt3A_108 = arith.cmpf ogt, %gt3A_107, %slice3A : vector<32x64xf32>
      %convert_element_type3A_109 = arith.extui %gt3A_108 : vector<32x64xi1> to vector<32x64xi32>
      %add3A_110 = arith.addi %add3A_105, %convert_element_type3A_109 : vector<32x64xi32>
      %eq3A_111 = vector.broadcast %slice3A_106 : vector<32x1xf32> to vector<32x64xf32>
      %eq3A_112 = arith.cmpf oeq, %eq3A_111, %slice3A : vector<32x64xf32>
      %gt3A_113 = arith.constant 4 : i32
      %gt3A_114 = vector.broadcast %gt3A_113 : i32 to vector<32x64xi32>
      %gt3A_115 = arith.cmpi sgt, %iota3A_51, %gt3A_114 : vector<32x64xi32>
      %and3A_116 = arith.andi %eq3A_112, %gt3A_115 : vector<32x64xi1>
      %convert_element_type3A_117 = arith.extui %and3A_116 : vector<32x64xi1> to vector<32x64xi32>
      %add3A_118 = arith.addi %add3A_110, %convert_element_type3A_117 : vector<32x64xi32>
      %slice3A_119 = vector.extract_strided_slice %slice3A {offsets = [0, 5], sizes = [32, 1], strides = [1, 1]} : vector<32x64xf32> to vector<32x1xf32>
      %gt3A_120 = vector.broadcast %slice3A_119 : vector<32x1xf32> to vector<32x64xf32>
      %gt3A_121 = arith.cmpf ogt, %gt3A_120, %slice3A : vector<32x64xf32>
      %convert_element_type3A_122 = arith.extui %gt3A_121 : vector<32x64xi1> to vector<32x64xi32>
      %add3A_123 = arith.addi %add3A_118, %convert_element_type3A_122 : vector<32x64xi32>
      %eq3A_124 = vector.broadcast %slice3A_119 : vector<32x1xf32> to vector<32x64xf32>
      %eq3A_125 = arith.cmpf oeq, %eq3A_124, %slice3A : vector<32x64xf32>
      %gt3A_126 = arith.constant 5 : i32
      %gt3A_127 = vector.broadcast %gt3A_126 : i32 to vector<32x64xi32>
      %gt3A_128 = arith.cmpi sgt, %iota3A_51, %gt3A_127 : vector<32x64xi32>
      %and3A_129 = arith.andi %eq3A_125, %gt3A_128 : vector<32x64xi1>
      %convert_element_type3A_130 = arith.extui %and3A_129 : vector<32x64xi1> to vector<32x64xi32>
      %add3A_131 = arith.addi %add3A_123, %convert_element_type3A_130 : vector<32x64xi32>
      %slice3A_132 = vector.extract_strided_slice %slice3A {offsets = [0, 6], sizes = [32, 1], strides = [1, 1]} : vector<32x64xf32> to vector<32x1xf32>
      %gt3A_133 = vector.broadcast %slice3A_132 : vector<32x1xf32> to vector<32x64xf32>
      %gt3A_134 = arith.cmpf ogt, %gt3A_133, %slice3A : vector<32x64xf32>
      %convert_element_type3A_135 = arith.extui %gt3A_134 : vector<32x64xi1> to vector<32x64xi32>
      %add3A_136 = arith.addi %add3A_131, %convert_element_type3A_135 : vector<32x64xi32>
      %eq3A_137 = vector.broadcast %slice3A_132 : vector<32x1xf32> to vector<32x64xf32>
      %eq3A_138 = arith.cmpf oeq, %eq3A_137, %slice3A : vector<32x64xf32>
      %gt3A_139 = arith.constant 6 : i32
      %gt3A_140 = vector.broadcast %gt3A_139 : i32 to vector<32x64xi32>
      %gt3A_141 = arith.cmpi sgt, %iota3A_51, %gt3A_140 : vector<32x64xi32>
      %and3A_142 = arith.andi %eq3A_138, %gt3A_141 : vector<32x64xi1>
      %convert_element_type3A_143 = arith.extui %and3A_142 : vector<32x64xi1> to vector<32x64xi32>
      %add3A_144 = arith.addi %add3A_136, %convert_element_type3A_143 : vector<32x64xi32>
      %slice3A_145 = vector.extract_strided_slice %slice3A {offsets = [0, 7], sizes = [32, 1], strides = [1, 1]} : vector<32x64xf32> to vector<32x1xf32>
      %gt3A_146 = vector.broadcast %slice3A_145 : vector<32x1xf32> to vector<32x64xf32>
      %gt3A_147 = arith.cmpf ogt, %gt3A_146, %slice3A : vector<32x64xf32>
      %convert_element_type3A_148 = arith.extui %gt3A_147 : vector<32x64xi1> to vector<32x64xi32>
      %add3A_149 = arith.addi %add3A_144, %convert_element_type3A_148 : vector<32x64xi32>
      %eq3A_150 = vector.broadcast %slice3A_145 : vector<32x1xf32> to vector<32x64xf32>
      %eq3A_151 = arith.cmpf oeq, %eq3A_150, %slice3A : vector<32x64xf32>
      %gt3A_152 = arith.constant 7 : i32
      %gt3A_153 = vector.broadcast %gt3A_152 : i32 to vector<32x64xi32>
      %gt3A_154 = arith.cmpi sgt, %iota3A_51, %gt3A_153 : vector<32x64xi32>
      %and3A_155 = arith.andi %eq3A_151, %gt3A_154 : vector<32x64xi1>
      %convert_element_type3A_156 = arith.extui %and3A_155 : vector<32x64xi1> to vector<32x64xi32>
      %add3A_157 = arith.addi %add3A_149, %convert_element_type3A_156 : vector<32x64xi32>
      %slice3A_158 = vector.extract_strided_slice %slice3A {offsets = [0, 8], sizes = [32, 1], strides = [1, 1]} : vector<32x64xf32> to vector<32x1xf32>
      %gt3A_159 = vector.broadcast %slice3A_158 : vector<32x1xf32> to vector<32x64xf32>
      %gt3A_160 = arith.cmpf ogt, %gt3A_159, %slice3A : vector<32x64xf32>
      %convert_element_type3A_161 = arith.extui %gt3A_160 : vector<32x64xi1> to vector<32x64xi32>
      %add3A_162 = arith.addi %add3A_157, %convert_element_type3A_161 : vector<32x64xi32>
      %eq3A_163 = vector.broadcast %slice3A_158 : vector<32x1xf32> to vector<32x64xf32>
      %eq3A_164 = arith.cmpf oeq, %eq3A_163, %slice3A : vector<32x64xf32>
      %gt3A_165 = arith.constant 8 : i32
      %gt3A_166 = vector.broadcast %gt3A_165 : i32 to vector<32x64xi32>
      %gt3A_167 = arith.cmpi sgt, %iota3A_51, %gt3A_166 : vector<32x64xi32>
      %and3A_168 = arith.andi %eq3A_164, %gt3A_167 : vector<32x64xi1>
      %convert_element_type3A_169 = arith.extui %and3A_168 : vector<32x64xi1> to vector<32x64xi32>
      %add3A_170 = arith.addi %add3A_162, %convert_element_type3A_169 : vector<32x64xi32>
      %slice3A_171 = vector.extract_strided_slice %slice3A {offsets = [0, 9], sizes = [32, 1], strides = [1, 1]} : vector<32x64xf32> to vector<32x1xf32>
      %gt3A_172 = vector.broadcast %slice3A_171 : vector<32x1xf32> to vector<32x64xf32>
      %gt3A_173 = arith.cmpf ogt, %gt3A_172, %slice3A : vector<32x64xf32>
      %convert_element_type3A_174 = arith.extui %gt3A_173 : vector<32x64xi1> to vector<32x64xi32>
      %add3A_175 = arith.addi %add3A_170, %convert_element_type3A_174 : vector<32x64xi32>
      %eq3A_176 = vector.broadcast %slice3A_171 : vector<32x1xf32> to vector<32x64xf32>
      %eq3A_177 = arith.cmpf oeq, %eq3A_176, %slice3A : vector<32x64xf32>
      %gt3A_178 = arith.constant 9 : i32
      %gt3A_179 = vector.broadcast %gt3A_178 : i32 to vector<32x64xi32>
      %gt3A_180 = arith.cmpi sgt, %iota3A_51, %gt3A_179 : vector<32x64xi32>
      %and3A_181 = arith.andi %eq3A_177, %gt3A_180 : vector<32x64xi1>
      %convert_element_type3A_182 = arith.extui %and3A_181 : vector<32x64xi1> to vector<32x64xi32>
      %add3A_183 = arith.addi %add3A_175, %convert_element_type3A_182 : vector<32x64xi32>
      %slice3A_184 = vector.extract_strided_slice %slice3A {offsets = [0, 10], sizes = [32, 1], strides = [1, 1]} : vector<32x64xf32> to vector<32x1xf32>
      %gt3A_185 = vector.broadcast %slice3A_184 : vector<32x1xf32> to vector<32x64xf32>
      %gt3A_186 = arith.cmpf ogt, %gt3A_185, %slice3A : vector<32x64xf32>
      %convert_element_type3A_187 = arith.extui %gt3A_186 : vector<32x64xi1> to vector<32x64xi32>
      %add3A_188 = arith.addi %add3A_183, %convert_element_type3A_187 : vector<32x64xi32>
      %eq3A_189 = vector.broadcast %slice3A_184 : vector<32x1xf32> to vector<32x64xf32>
      %eq3A_190 = arith.cmpf oeq, %eq3A_189, %slice3A : vector<32x64xf32>
      %gt3A_191 = arith.constant 10 : i32
      %gt3A_192 = vector.broadcast %gt3A_191 : i32 to vector<32x64xi32>
      %gt3A_193 = arith.cmpi sgt, %iota3A_51, %gt3A_192 : vector<32x64xi32>
      %and3A_194 = arith.andi %eq3A_190, %gt3A_193 : vector<32x64xi1>
      %convert_element_type3A_195 = arith.extui %and3A_194 : vector<32x64xi1> to vector<32x64xi32>
      %add3A_196 = arith.addi %add3A_188, %convert_element_type3A_195 : vector<32x64xi32>
      %slice3A_197 = vector.extract_strided_slice %slice3A {offsets = [0, 11], sizes = [32, 1], strides = [1, 1]} : vector<32x64xf32> to vector<32x1xf32>
      %gt3A_198 = vector.broadcast %slice3A_197 : vector<32x1xf32> to vector<32x64xf32>
      %gt3A_199 = arith.cmpf ogt, %gt3A_198, %slice3A : vector<32x64xf32>
      %convert_element_type3A_200 = arith.extui %gt3A_199 : vector<32x64xi1> to vector<32x64xi32>
      %add3A_201 = arith.addi %add3A_196, %convert_element_type3A_200 : vector<32x64xi32>
      %eq3A_202 = vector.broadcast %slice3A_197 : vector<32x1xf32> to vector<32x64xf32>
      %eq3A_203 = arith.cmpf oeq, %eq3A_202, %slice3A : vector<32x64xf32>
      %gt3A_204 = arith.constant 11 : i32
      %gt3A_205 = vector.broadcast %gt3A_204 : i32 to vector<32x64xi32>
      %gt3A_206 = arith.cmpi sgt, %iota3A_51, %gt3A_205 : vector<32x64xi32>
      %and3A_207 = arith.andi %eq3A_203, %gt3A_206 : vector<32x64xi1>
      %convert_element_type3A_208 = arith.extui %and3A_207 : vector<32x64xi1> to vector<32x64xi32>
      %add3A_209 = arith.addi %add3A_201, %convert_element_type3A_208 : vector<32x64xi32>
      %slice3A_210 = vector.extract_strided_slice %slice3A {offsets = [0, 12], sizes = [32, 1], strides = [1, 1]} : vector<32x64xf32> to vector<32x1xf32>
      %gt3A_211 = vector.broadcast %slice3A_210 : vector<32x1xf32> to vector<32x64xf32>
      %gt3A_212 = arith.cmpf ogt, %gt3A_211, %slice3A : vector<32x64xf32>
      %convert_element_type3A_213 = arith.extui %gt3A_212 : vector<32x64xi1> to vector<32x64xi32>
      %add3A_214 = arith.addi %add3A_209, %convert_element_type3A_213 : vector<32x64xi32>
      %eq3A_215 = vector.broadcast %slice3A_210 : vector<32x1xf32> to vector<32x64xf32>
      %eq3A_216 = arith.cmpf oeq, %eq3A_215, %slice3A : vector<32x64xf32>
      %gt3A_217 = arith.constant 12 : i32
      %gt3A_218 = vector.broadcast %gt3A_217 : i32 to vector<32x64xi32>
      %gt3A_219 = arith.cmpi sgt, %iota3A_51, %gt3A_218 : vector<32x64xi32>
      %and3A_220 = arith.andi %eq3A_216, %gt3A_219 : vector<32x64xi1>
      %convert_element_type3A_221 = arith.extui %and3A_220 : vector<32x64xi1> to vector<32x64xi32>
      %add3A_222 = arith.addi %add3A_214, %convert_element_type3A_221 : vector<32x64xi32>
      %slice3A_223 = vector.extract_strided_slice %slice3A {offsets = [0, 13], sizes = [32, 1], strides = [1, 1]} : vector<32x64xf32> to vector<32x1xf32>
      %gt3A_224 = vector.broadcast %slice3A_223 : vector<32x1xf32> to vector<32x64xf32>
      %gt3A_225 = arith.cmpf ogt, %gt3A_224, %slice3A : vector<32x64xf32>
      %convert_element_type3A_226 = arith.extui %gt3A_225 : vector<32x64xi1> to vector<32x64xi32>
      %add3A_227 = arith.addi %add3A_222, %convert_element_type3A_226 : vector<32x64xi32>
      %eq3A_228 = vector.broadcast %slice3A_223 : vector<32x1xf32> to vector<32x64xf32>
      %eq3A_229 = arith.cmpf oeq, %eq3A_228, %slice3A : vector<32x64xf32>
      %gt3A_230 = arith.constant 13 : i32
      %gt3A_231 = vector.broadcast %gt3A_230 : i32 to vector<32x64xi32>
      %gt3A_232 = arith.cmpi sgt, %iota3A_51, %gt3A_231 : vector<32x64xi32>
      %and3A_233 = arith.andi %eq3A_229, %gt3A_232 : vector<32x64xi1>
      %convert_element_type3A_234 = arith.extui %and3A_233 : vector<32x64xi1> to vector<32x64xi32>
      %add3A_235 = arith.addi %add3A_227, %convert_element_type3A_234 : vector<32x64xi32>
      %slice3A_236 = vector.extract_strided_slice %slice3A {offsets = [0, 14], sizes = [32, 1], strides = [1, 1]} : vector<32x64xf32> to vector<32x1xf32>
      %gt3A_237 = vector.broadcast %slice3A_236 : vector<32x1xf32> to vector<32x64xf32>
      %gt3A_238 = arith.cmpf ogt, %gt3A_237, %slice3A : vector<32x64xf32>
      %convert_element_type3A_239 = arith.extui %gt3A_238 : vector<32x64xi1> to vector<32x64xi32>
      %add3A_240 = arith.addi %add3A_235, %convert_element_type3A_239 : vector<32x64xi32>
      %eq3A_241 = vector.broadcast %slice3A_236 : vector<32x1xf32> to vector<32x64xf32>
      %eq3A_242 = arith.cmpf oeq, %eq3A_241, %slice3A : vector<32x64xf32>
      %gt3A_243 = arith.constant 14 : i32
      %gt3A_244 = vector.broadcast %gt3A_243 : i32 to vector<32x64xi32>
      %gt3A_245 = arith.cmpi sgt, %iota3A_51, %gt3A_244 : vector<32x64xi32>
      %and3A_246 = arith.andi %eq3A_242, %gt3A_245 : vector<32x64xi1>
      %convert_element_type3A_247 = arith.extui %and3A_246 : vector<32x64xi1> to vector<32x64xi32>
      %add3A_248 = arith.addi %add3A_240, %convert_element_type3A_247 : vector<32x64xi32>
      %slice3A_249 = vector.extract_strided_slice %slice3A {offsets = [0, 15], sizes = [32, 1], strides = [1, 1]} : vector<32x64xf32> to vector<32x1xf32>
      %gt3A_250 = vector.broadcast %slice3A_249 : vector<32x1xf32> to vector<32x64xf32>
      %gt3A_251 = arith.cmpf ogt, %gt3A_250, %slice3A : vector<32x64xf32>
      %convert_element_type3A_252 = arith.extui %gt3A_251 : vector<32x64xi1> to vector<32x64xi32>
      %add3A_253 = arith.addi %add3A_248, %convert_element_type3A_252 : vector<32x64xi32>
      %eq3A_254 = vector.broadcast %slice3A_249 : vector<32x1xf32> to vector<32x64xf32>
      %eq3A_255 = arith.cmpf oeq, %eq3A_254, %slice3A : vector<32x64xf32>
      %gt3A_256 = arith.constant 15 : i32
      %gt3A_257 = vector.broadcast %gt3A_256 : i32 to vector<32x64xi32>
      %gt3A_258 = arith.cmpi sgt, %iota3A_51, %gt3A_257 : vector<32x64xi32>
      %and3A_259 = arith.andi %eq3A_255, %gt3A_258 : vector<32x64xi1>
      %convert_element_type3A_260 = arith.extui %and3A_259 : vector<32x64xi1> to vector<32x64xi32>
      %add3A_261 = arith.addi %add3A_253, %convert_element_type3A_260 : vector<32x64xi32>
      %slice3A_262 = vector.extract_strided_slice %slice3A {offsets = [0, 16], sizes = [32, 1], strides = [1, 1]} : vector<32x64xf32> to vector<32x1xf32>
      %gt3A_263 = vector.broadcast %slice3A_262 : vector<32x1xf32> to vector<32x64xf32>
      %gt3A_264 = arith.cmpf ogt, %gt3A_263, %slice3A : vector<32x64xf32>
      %convert_element_type3A_265 = arith.extui %gt3A_264 : vector<32x64xi1> to vector<32x64xi32>
      %add3A_266 = arith.addi %add3A_261, %convert_element_type3A_265 : vector<32x64xi32>
      %eq3A_267 = vector.broadcast %slice3A_262 : vector<32x1xf32> to vector<32x64xf32>
      %eq3A_268 = arith.cmpf oeq, %eq3A_267, %slice3A : vector<32x64xf32>
      %gt3A_269 = arith.constant 16 : i32
      %gt3A_270 = vector.broadcast %gt3A_269 : i32 to vector<32x64xi32>
      %gt3A_271 = arith.cmpi sgt, %iota3A_51, %gt3A_270 : vector<32x64xi32>
      %and3A_272 = arith.andi %eq3A_268, %gt3A_271 : vector<32x64xi1>
      %convert_element_type3A_273 = arith.extui %and3A_272 : vector<32x64xi1> to vector<32x64xi32>
      %add3A_274 = arith.addi %add3A_266, %convert_element_type3A_273 : vector<32x64xi32>
      %slice3A_275 = vector.extract_strided_slice %slice3A {offsets = [0, 17], sizes = [32, 1], strides = [1, 1]} : vector<32x64xf32> to vector<32x1xf32>
      %gt3A_276 = vector.broadcast %slice3A_275 : vector<32x1xf32> to vector<32x64xf32>
      %gt3A_277 = arith.cmpf ogt, %gt3A_276, %slice3A : vector<32x64xf32>
      %convert_element_type3A_278 = arith.extui %gt3A_277 : vector<32x64xi1> to vector<32x64xi32>
      %add3A_279 = arith.addi %add3A_274, %convert_element_type3A_278 : vector<32x64xi32>
      %eq3A_280 = vector.broadcast %slice3A_275 : vector<32x1xf32> to vector<32x64xf32>
      %eq3A_281 = arith.cmpf oeq, %eq3A_280, %slice3A : vector<32x64xf32>
      %gt3A_282 = arith.constant 17 : i32
      %gt3A_283 = vector.broadcast %gt3A_282 : i32 to vector<32x64xi32>
      %gt3A_284 = arith.cmpi sgt, %iota3A_51, %gt3A_283 : vector<32x64xi32>
      %and3A_285 = arith.andi %eq3A_281, %gt3A_284 : vector<32x64xi1>
      %convert_element_type3A_286 = arith.extui %and3A_285 : vector<32x64xi1> to vector<32x64xi32>
      %add3A_287 = arith.addi %add3A_279, %convert_element_type3A_286 : vector<32x64xi32>
      %slice3A_288 = vector.extract_strided_slice %slice3A {offsets = [0, 18], sizes = [32, 1], strides = [1, 1]} : vector<32x64xf32> to vector<32x1xf32>
      %gt3A_289 = vector.broadcast %slice3A_288 : vector<32x1xf32> to vector<32x64xf32>
      %gt3A_290 = arith.cmpf ogt, %gt3A_289, %slice3A : vector<32x64xf32>
      %convert_element_type3A_291 = arith.extui %gt3A_290 : vector<32x64xi1> to vector<32x64xi32>
      %add3A_292 = arith.addi %add3A_287, %convert_element_type3A_291 : vector<32x64xi32>
      %eq3A_293 = vector.broadcast %slice3A_288 : vector<32x1xf32> to vector<32x64xf32>
      %eq3A_294 = arith.cmpf oeq, %eq3A_293, %slice3A : vector<32x64xf32>
      %gt3A_295 = arith.constant 18 : i32
      %gt3A_296 = vector.broadcast %gt3A_295 : i32 to vector<32x64xi32>
      %gt3A_297 = arith.cmpi sgt, %iota3A_51, %gt3A_296 : vector<32x64xi32>
      %and3A_298 = arith.andi %eq3A_294, %gt3A_297 : vector<32x64xi1>
      %convert_element_type3A_299 = arith.extui %and3A_298 : vector<32x64xi1> to vector<32x64xi32>
      %add3A_300 = arith.addi %add3A_292, %convert_element_type3A_299 : vector<32x64xi32>
      %slice3A_301 = vector.extract_strided_slice %slice3A {offsets = [0, 19], sizes = [32, 1], strides = [1, 1]} : vector<32x64xf32> to vector<32x1xf32>
      %gt3A_302 = vector.broadcast %slice3A_301 : vector<32x1xf32> to vector<32x64xf32>
      %gt3A_303 = arith.cmpf ogt, %gt3A_302, %slice3A : vector<32x64xf32>
      %convert_element_type3A_304 = arith.extui %gt3A_303 : vector<32x64xi1> to vector<32x64xi32>
      %add3A_305 = arith.addi %add3A_300, %convert_element_type3A_304 : vector<32x64xi32>
      %eq3A_306 = vector.broadcast %slice3A_301 : vector<32x1xf32> to vector<32x64xf32>
      %eq3A_307 = arith.cmpf oeq, %eq3A_306, %slice3A : vector<32x64xf32>
      %gt3A_308 = arith.constant 19 : i32
      %gt3A_309 = vector.broadcast %gt3A_308 : i32 to vector<32x64xi32>
      %gt3A_310 = arith.cmpi sgt, %iota3A_51, %gt3A_309 : vector<32x64xi32>
      %and3A_311 = arith.andi %eq3A_307, %gt3A_310 : vector<32x64xi1>
      %convert_element_type3A_312 = arith.extui %and3A_311 : vector<32x64xi1> to vector<32x64xi32>
      %add3A_313 = arith.addi %add3A_305, %convert_element_type3A_312 : vector<32x64xi32>
      %slice3A_314 = vector.extract_strided_slice %slice3A {offsets = [0, 20], sizes = [32, 1], strides = [1, 1]} : vector<32x64xf32> to vector<32x1xf32>
      %gt3A_315 = vector.broadcast %slice3A_314 : vector<32x1xf32> to vector<32x64xf32>
      %gt3A_316 = arith.cmpf ogt, %gt3A_315, %slice3A : vector<32x64xf32>
      %convert_element_type3A_317 = arith.extui %gt3A_316 : vector<32x64xi1> to vector<32x64xi32>
      %add3A_318 = arith.addi %add3A_313, %convert_element_type3A_317 : vector<32x64xi32>
      %eq3A_319 = vector.broadcast %slice3A_314 : vector<32x1xf32> to vector<32x64xf32>
      %eq3A_320 = arith.cmpf oeq, %eq3A_319, %slice3A : vector<32x64xf32>
      %gt3A_321 = arith.constant 20 : i32
      %gt3A_322 = vector.broadcast %gt3A_321 : i32 to vector<32x64xi32>
      %gt3A_323 = arith.cmpi sgt, %iota3A_51, %gt3A_322 : vector<32x64xi32>
      %and3A_324 = arith.andi %eq3A_320, %gt3A_323 : vector<32x64xi1>
      %convert_element_type3A_325 = arith.extui %and3A_324 : vector<32x64xi1> to vector<32x64xi32>
      %add3A_326 = arith.addi %add3A_318, %convert_element_type3A_325 : vector<32x64xi32>
      %slice3A_327 = vector.extract_strided_slice %slice3A {offsets = [0, 21], sizes = [32, 1], strides = [1, 1]} : vector<32x64xf32> to vector<32x1xf32>
      %gt3A_328 = vector.broadcast %slice3A_327 : vector<32x1xf32> to vector<32x64xf32>
      %gt3A_329 = arith.cmpf ogt, %gt3A_328, %slice3A : vector<32x64xf32>
      %convert_element_type3A_330 = arith.extui %gt3A_329 : vector<32x64xi1> to vector<32x64xi32>
      %add3A_331 = arith.addi %add3A_326, %convert_element_type3A_330 : vector<32x64xi32>
      %eq3A_332 = vector.broadcast %slice3A_327 : vector<32x1xf32> to vector<32x64xf32>
      %eq3A_333 = arith.cmpf oeq, %eq3A_332, %slice3A : vector<32x64xf32>
      %gt3A_334 = arith.constant 21 : i32
      %gt3A_335 = vector.broadcast %gt3A_334 : i32 to vector<32x64xi32>
      %gt3A_336 = arith.cmpi sgt, %iota3A_51, %gt3A_335 : vector<32x64xi32>
      %and3A_337 = arith.andi %eq3A_333, %gt3A_336 : vector<32x64xi1>
      %convert_element_type3A_338 = arith.extui %and3A_337 : vector<32x64xi1> to vector<32x64xi32>
      %add3A_339 = arith.addi %add3A_331, %convert_element_type3A_338 : vector<32x64xi32>
      %slice3A_340 = vector.extract_strided_slice %slice3A {offsets = [0, 22], sizes = [32, 1], strides = [1, 1]} : vector<32x64xf32> to vector<32x1xf32>
      %gt3A_341 = vector.broadcast %slice3A_340 : vector<32x1xf32> to vector<32x64xf32>
      %gt3A_342 = arith.cmpf ogt, %gt3A_341, %slice3A : vector<32x64xf32>
      %convert_element_type3A_343 = arith.extui %gt3A_342 : vector<32x64xi1> to vector<32x64xi32>
      %add3A_344 = arith.addi %add3A_339, %convert_element_type3A_343 : vector<32x64xi32>
      %eq3A_345 = vector.broadcast %slice3A_340 : vector<32x1xf32> to vector<32x64xf32>
      %eq3A_346 = arith.cmpf oeq, %eq3A_345, %slice3A : vector<32x64xf32>
      %gt3A_347 = arith.constant 22 : i32
      %gt3A_348 = vector.broadcast %gt3A_347 : i32 to vector<32x64xi32>
      %gt3A_349 = arith.cmpi sgt, %iota3A_51, %gt3A_348 : vector<32x64xi32>
      %and3A_350 = arith.andi %eq3A_346, %gt3A_349 : vector<32x64xi1>
      %convert_element_type3A_351 = arith.extui %and3A_350 : vector<32x64xi1> to vector<32x64xi32>
      %add3A_352 = arith.addi %add3A_344, %convert_element_type3A_351 : vector<32x64xi32>
      %slice3A_353 = vector.extract_strided_slice %slice3A {offsets = [0, 23], sizes = [32, 1], strides = [1, 1]} : vector<32x64xf32> to vector<32x1xf32>
      %gt3A_354 = vector.broadcast %slice3A_353 : vector<32x1xf32> to vector<32x64xf32>
      %gt3A_355 = arith.cmpf ogt, %gt3A_354, %slice3A : vector<32x64xf32>
      %convert_element_type3A_356 = arith.extui %gt3A_355 : vector<32x64xi1> to vector<32x64xi32>
      %add3A_357 = arith.addi %add3A_352, %convert_element_type3A_356 : vector<32x64xi32>
      %eq3A_358 = vector.broadcast %slice3A_353 : vector<32x1xf32> to vector<32x64xf32>
      %eq3A_359 = arith.cmpf oeq, %eq3A_358, %slice3A : vector<32x64xf32>
      %gt3A_360 = arith.constant 23 : i32
      %gt3A_361 = vector.broadcast %gt3A_360 : i32 to vector<32x64xi32>
      %gt3A_362 = arith.cmpi sgt, %iota3A_51, %gt3A_361 : vector<32x64xi32>
      %and3A_363 = arith.andi %eq3A_359, %gt3A_362 : vector<32x64xi1>
      %convert_element_type3A_364 = arith.extui %and3A_363 : vector<32x64xi1> to vector<32x64xi32>
      %add3A_365 = arith.addi %add3A_357, %convert_element_type3A_364 : vector<32x64xi32>
      %slice3A_366 = vector.extract_strided_slice %slice3A {offsets = [0, 24], sizes = [32, 1], strides = [1, 1]} : vector<32x64xf32> to vector<32x1xf32>
      %gt3A_367 = vector.broadcast %slice3A_366 : vector<32x1xf32> to vector<32x64xf32>
      %gt3A_368 = arith.cmpf ogt, %gt3A_367, %slice3A : vector<32x64xf32>
      %convert_element_type3A_369 = arith.extui %gt3A_368 : vector<32x64xi1> to vector<32x64xi32>
      %add3A_370 = arith.addi %add3A_365, %convert_element_type3A_369 : vector<32x64xi32>
      %eq3A_371 = vector.broadcast %slice3A_366 : vector<32x1xf32> to vector<32x64xf32>
      %eq3A_372 = arith.cmpf oeq, %eq3A_371, %slice3A : vector<32x64xf32>
      %gt3A_373 = arith.constant 24 : i32
      %gt3A_374 = vector.broadcast %gt3A_373 : i32 to vector<32x64xi32>
      %gt3A_375 = arith.cmpi sgt, %iota3A_51, %gt3A_374 : vector<32x64xi32>
      %and3A_376 = arith.andi %eq3A_372, %gt3A_375 : vector<32x64xi1>
      %convert_element_type3A_377 = arith.extui %and3A_376 : vector<32x64xi1> to vector<32x64xi32>
      %add3A_378 = arith.addi %add3A_370, %convert_element_type3A_377 : vector<32x64xi32>
      %slice3A_379 = vector.extract_strided_slice %slice3A {offsets = [0, 25], sizes = [32, 1], strides = [1, 1]} : vector<32x64xf32> to vector<32x1xf32>
      %gt3A_380 = vector.broadcast %slice3A_379 : vector<32x1xf32> to vector<32x64xf32>
      %gt3A_381 = arith.cmpf ogt, %gt3A_380, %slice3A : vector<32x64xf32>
      %convert_element_type3A_382 = arith.extui %gt3A_381 : vector<32x64xi1> to vector<32x64xi32>
      %add3A_383 = arith.addi %add3A_378, %convert_element_type3A_382 : vector<32x64xi32>
      %eq3A_384 = vector.broadcast %slice3A_379 : vector<32x1xf32> to vector<32x64xf32>
      %eq3A_385 = arith.cmpf oeq, %eq3A_384, %slice3A : vector<32x64xf32>
      %gt3A_386 = arith.constant 25 : i32
      %gt3A_387 = vector.broadcast %gt3A_386 : i32 to vector<32x64xi32>
      %gt3A_388 = arith.cmpi sgt, %iota3A_51, %gt3A_387 : vector<32x64xi32>
      %and3A_389 = arith.andi %eq3A_385, %gt3A_388 : vector<32x64xi1>
      %convert_element_type3A_390 = arith.extui %and3A_389 : vector<32x64xi1> to vector<32x64xi32>
      %add3A_391 = arith.addi %add3A_383, %convert_element_type3A_390 : vector<32x64xi32>
      %slice3A_392 = vector.extract_strided_slice %slice3A {offsets = [0, 26], sizes = [32, 1], strides = [1, 1]} : vector<32x64xf32> to vector<32x1xf32>
      %gt3A_393 = vector.broadcast %slice3A_392 : vector<32x1xf32> to vector<32x64xf32>
      %gt3A_394 = arith.cmpf ogt, %gt3A_393, %slice3A : vector<32x64xf32>
      %convert_element_type3A_395 = arith.extui %gt3A_394 : vector<32x64xi1> to vector<32x64xi32>
      %add3A_396 = arith.addi %add3A_391, %convert_element_type3A_395 : vector<32x64xi32>
      %eq3A_397 = vector.broadcast %slice3A_392 : vector<32x1xf32> to vector<32x64xf32>
      %eq3A_398 = arith.cmpf oeq, %eq3A_397, %slice3A : vector<32x64xf32>
      %gt3A_399 = arith.constant 26 : i32
      %gt3A_400 = vector.broadcast %gt3A_399 : i32 to vector<32x64xi32>
      %gt3A_401 = arith.cmpi sgt, %iota3A_51, %gt3A_400 : vector<32x64xi32>
      %and3A_402 = arith.andi %eq3A_398, %gt3A_401 : vector<32x64xi1>
      %convert_element_type3A_403 = arith.extui %and3A_402 : vector<32x64xi1> to vector<32x64xi32>
      %add3A_404 = arith.addi %add3A_396, %convert_element_type3A_403 : vector<32x64xi32>
      %slice3A_405 = vector.extract_strided_slice %slice3A {offsets = [0, 27], sizes = [32, 1], strides = [1, 1]} : vector<32x64xf32> to vector<32x1xf32>
      %gt3A_406 = vector.broadcast %slice3A_405 : vector<32x1xf32> to vector<32x64xf32>
      %gt3A_407 = arith.cmpf ogt, %gt3A_406, %slice3A : vector<32x64xf32>
      %convert_element_type3A_408 = arith.extui %gt3A_407 : vector<32x64xi1> to vector<32x64xi32>
      %add3A_409 = arith.addi %add3A_404, %convert_element_type3A_408 : vector<32x64xi32>
      %eq3A_410 = vector.broadcast %slice3A_405 : vector<32x1xf32> to vector<32x64xf32>
      %eq3A_411 = arith.cmpf oeq, %eq3A_410, %slice3A : vector<32x64xf32>
      %gt3A_412 = arith.constant 27 : i32
      %gt3A_413 = vector.broadcast %gt3A_412 : i32 to vector<32x64xi32>
      %gt3A_414 = arith.cmpi sgt, %iota3A_51, %gt3A_413 : vector<32x64xi32>
      %and3A_415 = arith.andi %eq3A_411, %gt3A_414 : vector<32x64xi1>
      %convert_element_type3A_416 = arith.extui %and3A_415 : vector<32x64xi1> to vector<32x64xi32>
      %add3A_417 = arith.addi %add3A_409, %convert_element_type3A_416 : vector<32x64xi32>
      %slice3A_418 = vector.extract_strided_slice %slice3A {offsets = [0, 28], sizes = [32, 1], strides = [1, 1]} : vector<32x64xf32> to vector<32x1xf32>
      %gt3A_419 = vector.broadcast %slice3A_418 : vector<32x1xf32> to vector<32x64xf32>
      %gt3A_420 = arith.cmpf ogt, %gt3A_419, %slice3A : vector<32x64xf32>
      %convert_element_type3A_421 = arith.extui %gt3A_420 : vector<32x64xi1> to vector<32x64xi32>
      %add3A_422 = arith.addi %add3A_417, %convert_element_type3A_421 : vector<32x64xi32>
      %eq3A_423 = vector.broadcast %slice3A_418 : vector<32x1xf32> to vector<32x64xf32>
      %eq3A_424 = arith.cmpf oeq, %eq3A_423, %slice3A : vector<32x64xf32>
      %gt3A_425 = arith.constant 28 : i32
      %gt3A_426 = vector.broadcast %gt3A_425 : i32 to vector<32x64xi32>
      %gt3A_427 = arith.cmpi sgt, %iota3A_51, %gt3A_426 : vector<32x64xi32>
      %and3A_428 = arith.andi %eq3A_424, %gt3A_427 : vector<32x64xi1>
      %convert_element_type3A_429 = arith.extui %and3A_428 : vector<32x64xi1> to vector<32x64xi32>
      %add3A_430 = arith.addi %add3A_422, %convert_element_type3A_429 : vector<32x64xi32>
      %slice3A_431 = vector.extract_strided_slice %slice3A {offsets = [0, 29], sizes = [32, 1], strides = [1, 1]} : vector<32x64xf32> to vector<32x1xf32>
      %gt3A_432 = vector.broadcast %slice3A_431 : vector<32x1xf32> to vector<32x64xf32>
      %gt3A_433 = arith.cmpf ogt, %gt3A_432, %slice3A : vector<32x64xf32>
      %convert_element_type3A_434 = arith.extui %gt3A_433 : vector<32x64xi1> to vector<32x64xi32>
      %add3A_435 = arith.addi %add3A_430, %convert_element_type3A_434 : vector<32x64xi32>
      %eq3A_436 = vector.broadcast %slice3A_431 : vector<32x1xf32> to vector<32x64xf32>
      %eq3A_437 = arith.cmpf oeq, %eq3A_436, %slice3A : vector<32x64xf32>
      %gt3A_438 = arith.constant 29 : i32
      %gt3A_439 = vector.broadcast %gt3A_438 : i32 to vector<32x64xi32>
      %gt3A_440 = arith.cmpi sgt, %iota3A_51, %gt3A_439 : vector<32x64xi32>
      %and3A_441 = arith.andi %eq3A_437, %gt3A_440 : vector<32x64xi1>
      %convert_element_type3A_442 = arith.extui %and3A_441 : vector<32x64xi1> to vector<32x64xi32>
      %add3A_443 = arith.addi %add3A_435, %convert_element_type3A_442 : vector<32x64xi32>
      %slice3A_444 = vector.extract_strided_slice %slice3A {offsets = [0, 30], sizes = [32, 1], strides = [1, 1]} : vector<32x64xf32> to vector<32x1xf32>
      %gt3A_445 = vector.broadcast %slice3A_444 : vector<32x1xf32> to vector<32x64xf32>
      %gt3A_446 = arith.cmpf ogt, %gt3A_445, %slice3A : vector<32x64xf32>
      %convert_element_type3A_447 = arith.extui %gt3A_446 : vector<32x64xi1> to vector<32x64xi32>
      %add3A_448 = arith.addi %add3A_443, %convert_element_type3A_447 : vector<32x64xi32>
      %eq3A_449 = vector.broadcast %slice3A_444 : vector<32x1xf32> to vector<32x64xf32>
      %eq3A_450 = arith.cmpf oeq, %eq3A_449, %slice3A : vector<32x64xf32>
      %gt3A_451 = arith.constant 30 : i32
      %gt3A_452 = vector.broadcast %gt3A_451 : i32 to vector<32x64xi32>
      %gt3A_453 = arith.cmpi sgt, %iota3A_51, %gt3A_452 : vector<32x64xi32>
      %and3A_454 = arith.andi %eq3A_450, %gt3A_453 : vector<32x64xi1>
      %convert_element_type3A_455 = arith.extui %and3A_454 : vector<32x64xi1> to vector<32x64xi32>
      %add3A_456 = arith.addi %add3A_448, %convert_element_type3A_455 : vector<32x64xi32>
      %slice3A_457 = vector.extract_strided_slice %slice3A {offsets = [0, 31], sizes = [32, 1], strides = [1, 1]} : vector<32x64xf32> to vector<32x1xf32>
      %gt3A_458 = vector.broadcast %slice3A_457 : vector<32x1xf32> to vector<32x64xf32>
      %gt3A_459 = arith.cmpf ogt, %gt3A_458, %slice3A : vector<32x64xf32>
      %convert_element_type3A_460 = arith.extui %gt3A_459 : vector<32x64xi1> to vector<32x64xi32>
      %add3A_461 = arith.addi %add3A_456, %convert_element_type3A_460 : vector<32x64xi32>
      %eq3A_462 = vector.broadcast %slice3A_457 : vector<32x1xf32> to vector<32x64xf32>
      %eq3A_463 = arith.cmpf oeq, %eq3A_462, %slice3A : vector<32x64xf32>
      %gt3A_464 = arith.constant 31 : i32
      %gt3A_465 = vector.broadcast %gt3A_464 : i32 to vector<32x64xi32>
      %gt3A_466 = arith.cmpi sgt, %iota3A_51, %gt3A_465 : vector<32x64xi32>
      %and3A_467 = arith.andi %eq3A_463, %gt3A_466 : vector<32x64xi1>
      %convert_element_type3A_468 = arith.extui %and3A_467 : vector<32x64xi1> to vector<32x64xi32>
      %add3A_469 = arith.addi %add3A_461, %convert_element_type3A_468 : vector<32x64xi32>
      %slice3A_470 = vector.extract_strided_slice %slice3A {offsets = [0, 32], sizes = [32, 1], strides = [1, 1]} : vector<32x64xf32> to vector<32x1xf32>
      %gt3A_471 = vector.broadcast %slice3A_470 : vector<32x1xf32> to vector<32x64xf32>
      %gt3A_472 = arith.cmpf ogt, %gt3A_471, %slice3A : vector<32x64xf32>
      %convert_element_type3A_473 = arith.extui %gt3A_472 : vector<32x64xi1> to vector<32x64xi32>
      %add3A_474 = arith.addi %add3A_469, %convert_element_type3A_473 : vector<32x64xi32>
      %eq3A_475 = vector.broadcast %slice3A_470 : vector<32x1xf32> to vector<32x64xf32>
      %eq3A_476 = arith.cmpf oeq, %eq3A_475, %slice3A : vector<32x64xf32>
      %gt3A_477 = arith.constant 32 : i32
      %gt3A_478 = vector.broadcast %gt3A_477 : i32 to vector<32x64xi32>
      %gt3A_479 = arith.cmpi sgt, %iota3A_51, %gt3A_478 : vector<32x64xi32>
      %and3A_480 = arith.andi %eq3A_476, %gt3A_479 : vector<32x64xi1>
      %convert_element_type3A_481 = arith.extui %and3A_480 : vector<32x64xi1> to vector<32x64xi32>
      %add3A_482 = arith.addi %add3A_474, %convert_element_type3A_481 : vector<32x64xi32>
      %slice3A_483 = vector.extract_strided_slice %slice3A {offsets = [0, 33], sizes = [32, 1], strides = [1, 1]} : vector<32x64xf32> to vector<32x1xf32>
      %gt3A_484 = vector.broadcast %slice3A_483 : vector<32x1xf32> to vector<32x64xf32>
      %gt3A_485 = arith.cmpf ogt, %gt3A_484, %slice3A : vector<32x64xf32>
      %convert_element_type3A_486 = arith.extui %gt3A_485 : vector<32x64xi1> to vector<32x64xi32>
      %add3A_487 = arith.addi %add3A_482, %convert_element_type3A_486 : vector<32x64xi32>
      %eq3A_488 = vector.broadcast %slice3A_483 : vector<32x1xf32> to vector<32x64xf32>
      %eq3A_489 = arith.cmpf oeq, %eq3A_488, %slice3A : vector<32x64xf32>
      %gt3A_490 = arith.constant 33 : i32
      %gt3A_491 = vector.broadcast %gt3A_490 : i32 to vector<32x64xi32>
      %gt3A_492 = arith.cmpi sgt, %iota3A_51, %gt3A_491 : vector<32x64xi32>
      %and3A_493 = arith.andi %eq3A_489, %gt3A_492 : vector<32x64xi1>
      %convert_element_type3A_494 = arith.extui %and3A_493 : vector<32x64xi1> to vector<32x64xi32>
      %add3A_495 = arith.addi %add3A_487, %convert_element_type3A_494 : vector<32x64xi32>
      %slice3A_496 = vector.extract_strided_slice %slice3A {offsets = [0, 34], sizes = [32, 1], strides = [1, 1]} : vector<32x64xf32> to vector<32x1xf32>
      %gt3A_497 = vector.broadcast %slice3A_496 : vector<32x1xf32> to vector<32x64xf32>
      %gt3A_498 = arith.cmpf ogt, %gt3A_497, %slice3A : vector<32x64xf32>
      %convert_element_type3A_499 = arith.extui %gt3A_498 : vector<32x64xi1> to vector<32x64xi32>
      %add3A_500 = arith.addi %add3A_495, %convert_element_type3A_499 : vector<32x64xi32>
      %eq3A_501 = vector.broadcast %slice3A_496 : vector<32x1xf32> to vector<32x64xf32>
      %eq3A_502 = arith.cmpf oeq, %eq3A_501, %slice3A : vector<32x64xf32>
      %gt3A_503 = arith.constant 34 : i32
      %gt3A_504 = vector.broadcast %gt3A_503 : i32 to vector<32x64xi32>
      %gt3A_505 = arith.cmpi sgt, %iota3A_51, %gt3A_504 : vector<32x64xi32>
      %and3A_506 = arith.andi %eq3A_502, %gt3A_505 : vector<32x64xi1>
      %convert_element_type3A_507 = arith.extui %and3A_506 : vector<32x64xi1> to vector<32x64xi32>
      %add3A_508 = arith.addi %add3A_500, %convert_element_type3A_507 : vector<32x64xi32>
      %slice3A_509 = vector.extract_strided_slice %slice3A {offsets = [0, 35], sizes = [32, 1], strides = [1, 1]} : vector<32x64xf32> to vector<32x1xf32>
      %gt3A_510 = vector.broadcast %slice3A_509 : vector<32x1xf32> to vector<32x64xf32>
      %gt3A_511 = arith.cmpf ogt, %gt3A_510, %slice3A : vector<32x64xf32>
      %convert_element_type3A_512 = arith.extui %gt3A_511 : vector<32x64xi1> to vector<32x64xi32>
      %add3A_513 = arith.addi %add3A_508, %convert_element_type3A_512 : vector<32x64xi32>
      %eq3A_514 = vector.broadcast %slice3A_509 : vector<32x1xf32> to vector<32x64xf32>
      %eq3A_515 = arith.cmpf oeq, %eq3A_514, %slice3A : vector<32x64xf32>
      %gt3A_516 = arith.constant 35 : i32
      %gt3A_517 = vector.broadcast %gt3A_516 : i32 to vector<32x64xi32>
      %gt3A_518 = arith.cmpi sgt, %iota3A_51, %gt3A_517 : vector<32x64xi32>
      %and3A_519 = arith.andi %eq3A_515, %gt3A_518 : vector<32x64xi1>
      %convert_element_type3A_520 = arith.extui %and3A_519 : vector<32x64xi1> to vector<32x64xi32>
      %add3A_521 = arith.addi %add3A_513, %convert_element_type3A_520 : vector<32x64xi32>
      %slice3A_522 = vector.extract_strided_slice %slice3A {offsets = [0, 36], sizes = [32, 1], strides = [1, 1]} : vector<32x64xf32> to vector<32x1xf32>
      %gt3A_523 = vector.broadcast %slice3A_522 : vector<32x1xf32> to vector<32x64xf32>
      %gt3A_524 = arith.cmpf ogt, %gt3A_523, %slice3A : vector<32x64xf32>
      %convert_element_type3A_525 = arith.extui %gt3A_524 : vector<32x64xi1> to vector<32x64xi32>
      %add3A_526 = arith.addi %add3A_521, %convert_element_type3A_525 : vector<32x64xi32>
      %eq3A_527 = vector.broadcast %slice3A_522 : vector<32x1xf32> to vector<32x64xf32>
      %eq3A_528 = arith.cmpf oeq, %eq3A_527, %slice3A : vector<32x64xf32>
      %gt3A_529 = arith.constant 36 : i32
      %gt3A_530 = vector.broadcast %gt3A_529 : i32 to vector<32x64xi32>
      %gt3A_531 = arith.cmpi sgt, %iota3A_51, %gt3A_530 : vector<32x64xi32>
      %and3A_532 = arith.andi %eq3A_528, %gt3A_531 : vector<32x64xi1>
      %convert_element_type3A_533 = arith.extui %and3A_532 : vector<32x64xi1> to vector<32x64xi32>
      %add3A_534 = arith.addi %add3A_526, %convert_element_type3A_533 : vector<32x64xi32>
      %slice3A_535 = vector.extract_strided_slice %slice3A {offsets = [0, 37], sizes = [32, 1], strides = [1, 1]} : vector<32x64xf32> to vector<32x1xf32>
      %gt3A_536 = vector.broadcast %slice3A_535 : vector<32x1xf32> to vector<32x64xf32>
      %gt3A_537 = arith.cmpf ogt, %gt3A_536, %slice3A : vector<32x64xf32>
      %convert_element_type3A_538 = arith.extui %gt3A_537 : vector<32x64xi1> to vector<32x64xi32>
      %add3A_539 = arith.addi %add3A_534, %convert_element_type3A_538 : vector<32x64xi32>
      %eq3A_540 = vector.broadcast %slice3A_535 : vector<32x1xf32> to vector<32x64xf32>
      %eq3A_541 = arith.cmpf oeq, %eq3A_540, %slice3A : vector<32x64xf32>
      %gt3A_542 = arith.constant 37 : i32
      %gt3A_543 = vector.broadcast %gt3A_542 : i32 to vector<32x64xi32>
      %gt3A_544 = arith.cmpi sgt, %iota3A_51, %gt3A_543 : vector<32x64xi32>
      %and3A_545 = arith.andi %eq3A_541, %gt3A_544 : vector<32x64xi1>
      %convert_element_type3A_546 = arith.extui %and3A_545 : vector<32x64xi1> to vector<32x64xi32>
      %add3A_547 = arith.addi %add3A_539, %convert_element_type3A_546 : vector<32x64xi32>
      %slice3A_548 = vector.extract_strided_slice %slice3A {offsets = [0, 38], sizes = [32, 1], strides = [1, 1]} : vector<32x64xf32> to vector<32x1xf32>
      %gt3A_549 = vector.broadcast %slice3A_548 : vector<32x1xf32> to vector<32x64xf32>
      %gt3A_550 = arith.cmpf ogt, %gt3A_549, %slice3A : vector<32x64xf32>
      %convert_element_type3A_551 = arith.extui %gt3A_550 : vector<32x64xi1> to vector<32x64xi32>
      %add3A_552 = arith.addi %add3A_547, %convert_element_type3A_551 : vector<32x64xi32>
      %eq3A_553 = vector.broadcast %slice3A_548 : vector<32x1xf32> to vector<32x64xf32>
      %eq3A_554 = arith.cmpf oeq, %eq3A_553, %slice3A : vector<32x64xf32>
      %gt3A_555 = arith.constant 38 : i32
      %gt3A_556 = vector.broadcast %gt3A_555 : i32 to vector<32x64xi32>
      %gt3A_557 = arith.cmpi sgt, %iota3A_51, %gt3A_556 : vector<32x64xi32>
      %and3A_558 = arith.andi %eq3A_554, %gt3A_557 : vector<32x64xi1>
      %convert_element_type3A_559 = arith.extui %and3A_558 : vector<32x64xi1> to vector<32x64xi32>
      %add3A_560 = arith.addi %add3A_552, %convert_element_type3A_559 : vector<32x64xi32>
      %slice3A_561 = vector.extract_strided_slice %slice3A {offsets = [0, 39], sizes = [32, 1], strides = [1, 1]} : vector<32x64xf32> to vector<32x1xf32>
      %gt3A_562 = vector.broadcast %slice3A_561 : vector<32x1xf32> to vector<32x64xf32>
      %gt3A_563 = arith.cmpf ogt, %gt3A_562, %slice3A : vector<32x64xf32>
      %convert_element_type3A_564 = arith.extui %gt3A_563 : vector<32x64xi1> to vector<32x64xi32>
      %add3A_565 = arith.addi %add3A_560, %convert_element_type3A_564 : vector<32x64xi32>
      %eq3A_566 = vector.broadcast %slice3A_561 : vector<32x1xf32> to vector<32x64xf32>
      %eq3A_567 = arith.cmpf oeq, %eq3A_566, %slice3A : vector<32x64xf32>
      %gt3A_568 = arith.constant 39 : i32
      %gt3A_569 = vector.broadcast %gt3A_568 : i32 to vector<32x64xi32>
      %gt3A_570 = arith.cmpi sgt, %iota3A_51, %gt3A_569 : vector<32x64xi32>
      %and3A_571 = arith.andi %eq3A_567, %gt3A_570 : vector<32x64xi1>
      %convert_element_type3A_572 = arith.extui %and3A_571 : vector<32x64xi1> to vector<32x64xi32>
      %add3A_573 = arith.addi %add3A_565, %convert_element_type3A_572 : vector<32x64xi32>
      %slice3A_574 = vector.extract_strided_slice %slice3A {offsets = [0, 40], sizes = [32, 1], strides = [1, 1]} : vector<32x64xf32> to vector<32x1xf32>
      %gt3A_575 = vector.broadcast %slice3A_574 : vector<32x1xf32> to vector<32x64xf32>
      %gt3A_576 = arith.cmpf ogt, %gt3A_575, %slice3A : vector<32x64xf32>
      %convert_element_type3A_577 = arith.extui %gt3A_576 : vector<32x64xi1> to vector<32x64xi32>
      %add3A_578 = arith.addi %add3A_573, %convert_element_type3A_577 : vector<32x64xi32>
      %eq3A_579 = vector.broadcast %slice3A_574 : vector<32x1xf32> to vector<32x64xf32>
      %eq3A_580 = arith.cmpf oeq, %eq3A_579, %slice3A : vector<32x64xf32>
      %gt3A_581 = arith.constant 40 : i32
      %gt3A_582 = vector.broadcast %gt3A_581 : i32 to vector<32x64xi32>
      %gt3A_583 = arith.cmpi sgt, %iota3A_51, %gt3A_582 : vector<32x64xi32>
      %and3A_584 = arith.andi %eq3A_580, %gt3A_583 : vector<32x64xi1>
      %convert_element_type3A_585 = arith.extui %and3A_584 : vector<32x64xi1> to vector<32x64xi32>
      %add3A_586 = arith.addi %add3A_578, %convert_element_type3A_585 : vector<32x64xi32>
      %slice3A_587 = vector.extract_strided_slice %slice3A {offsets = [0, 41], sizes = [32, 1], strides = [1, 1]} : vector<32x64xf32> to vector<32x1xf32>
      %gt3A_588 = vector.broadcast %slice3A_587 : vector<32x1xf32> to vector<32x64xf32>
      %gt3A_589 = arith.cmpf ogt, %gt3A_588, %slice3A : vector<32x64xf32>
      %convert_element_type3A_590 = arith.extui %gt3A_589 : vector<32x64xi1> to vector<32x64xi32>
      %add3A_591 = arith.addi %add3A_586, %convert_element_type3A_590 : vector<32x64xi32>
      %eq3A_592 = vector.broadcast %slice3A_587 : vector<32x1xf32> to vector<32x64xf32>
      %eq3A_593 = arith.cmpf oeq, %eq3A_592, %slice3A : vector<32x64xf32>
      %gt3A_594 = arith.constant 41 : i32
      %gt3A_595 = vector.broadcast %gt3A_594 : i32 to vector<32x64xi32>
      %gt3A_596 = arith.cmpi sgt, %iota3A_51, %gt3A_595 : vector<32x64xi32>
      %and3A_597 = arith.andi %eq3A_593, %gt3A_596 : vector<32x64xi1>
      %convert_element_type3A_598 = arith.extui %and3A_597 : vector<32x64xi1> to vector<32x64xi32>
      %add3A_599 = arith.addi %add3A_591, %convert_element_type3A_598 : vector<32x64xi32>
      %slice3A_600 = vector.extract_strided_slice %slice3A {offsets = [0, 42], sizes = [32, 1], strides = [1, 1]} : vector<32x64xf32> to vector<32x1xf32>
      %gt3A_601 = vector.broadcast %slice3A_600 : vector<32x1xf32> to vector<32x64xf32>
      %gt3A_602 = arith.cmpf ogt, %gt3A_601, %slice3A : vector<32x64xf32>
      %convert_element_type3A_603 = arith.extui %gt3A_602 : vector<32x64xi1> to vector<32x64xi32>
      %add3A_604 = arith.addi %add3A_599, %convert_element_type3A_603 : vector<32x64xi32>
      %eq3A_605 = vector.broadcast %slice3A_600 : vector<32x1xf32> to vector<32x64xf32>
      %eq3A_606 = arith.cmpf oeq, %eq3A_605, %slice3A : vector<32x64xf32>
      %gt3A_607 = arith.constant 42 : i32
      %gt3A_608 = vector.broadcast %gt3A_607 : i32 to vector<32x64xi32>
      %gt3A_609 = arith.cmpi sgt, %iota3A_51, %gt3A_608 : vector<32x64xi32>
      %and3A_610 = arith.andi %eq3A_606, %gt3A_609 : vector<32x64xi1>
      %convert_element_type3A_611 = arith.extui %and3A_610 : vector<32x64xi1> to vector<32x64xi32>
      %add3A_612 = arith.addi %add3A_604, %convert_element_type3A_611 : vector<32x64xi32>
      %slice3A_613 = vector.extract_strided_slice %slice3A {offsets = [0, 43], sizes = [32, 1], strides = [1, 1]} : vector<32x64xf32> to vector<32x1xf32>
      %gt3A_614 = vector.broadcast %slice3A_613 : vector<32x1xf32> to vector<32x64xf32>
      %gt3A_615 = arith.cmpf ogt, %gt3A_614, %slice3A : vector<32x64xf32>
      %convert_element_type3A_616 = arith.extui %gt3A_615 : vector<32x64xi1> to vector<32x64xi32>
      %add3A_617 = arith.addi %add3A_612, %convert_element_type3A_616 : vector<32x64xi32>
      %eq3A_618 = vector.broadcast %slice3A_613 : vector<32x1xf32> to vector<32x64xf32>
      %eq3A_619 = arith.cmpf oeq, %eq3A_618, %slice3A : vector<32x64xf32>
      %gt3A_620 = arith.constant 43 : i32
      %gt3A_621 = vector.broadcast %gt3A_620 : i32 to vector<32x64xi32>
      %gt3A_622 = arith.cmpi sgt, %iota3A_51, %gt3A_621 : vector<32x64xi32>
      %and3A_623 = arith.andi %eq3A_619, %gt3A_622 : vector<32x64xi1>
      %convert_element_type3A_624 = arith.extui %and3A_623 : vector<32x64xi1> to vector<32x64xi32>
      %add3A_625 = arith.addi %add3A_617, %convert_element_type3A_624 : vector<32x64xi32>
      %slice3A_626 = vector.extract_strided_slice %slice3A {offsets = [0, 44], sizes = [32, 1], strides = [1, 1]} : vector<32x64xf32> to vector<32x1xf32>
      %gt3A_627 = vector.broadcast %slice3A_626 : vector<32x1xf32> to vector<32x64xf32>
      %gt3A_628 = arith.cmpf ogt, %gt3A_627, %slice3A : vector<32x64xf32>
      %convert_element_type3A_629 = arith.extui %gt3A_628 : vector<32x64xi1> to vector<32x64xi32>
      %add3A_630 = arith.addi %add3A_625, %convert_element_type3A_629 : vector<32x64xi32>
      %eq3A_631 = vector.broadcast %slice3A_626 : vector<32x1xf32> to vector<32x64xf32>
      %eq3A_632 = arith.cmpf oeq, %eq3A_631, %slice3A : vector<32x64xf32>
      %gt3A_633 = arith.constant 44 : i32
      %gt3A_634 = vector.broadcast %gt3A_633 : i32 to vector<32x64xi32>
      %gt3A_635 = arith.cmpi sgt, %iota3A_51, %gt3A_634 : vector<32x64xi32>
      %and3A_636 = arith.andi %eq3A_632, %gt3A_635 : vector<32x64xi1>
      %convert_element_type3A_637 = arith.extui %and3A_636 : vector<32x64xi1> to vector<32x64xi32>
      %add3A_638 = arith.addi %add3A_630, %convert_element_type3A_637 : vector<32x64xi32>
      %slice3A_639 = vector.extract_strided_slice %slice3A {offsets = [0, 45], sizes = [32, 1], strides = [1, 1]} : vector<32x64xf32> to vector<32x1xf32>
      %gt3A_640 = vector.broadcast %slice3A_639 : vector<32x1xf32> to vector<32x64xf32>
      %gt3A_641 = arith.cmpf ogt, %gt3A_640, %slice3A : vector<32x64xf32>
      %convert_element_type3A_642 = arith.extui %gt3A_641 : vector<32x64xi1> to vector<32x64xi32>
      %add3A_643 = arith.addi %add3A_638, %convert_element_type3A_642 : vector<32x64xi32>
      %eq3A_644 = vector.broadcast %slice3A_639 : vector<32x1xf32> to vector<32x64xf32>
      %eq3A_645 = arith.cmpf oeq, %eq3A_644, %slice3A : vector<32x64xf32>
      %gt3A_646 = arith.constant 45 : i32
      %gt3A_647 = vector.broadcast %gt3A_646 : i32 to vector<32x64xi32>
      %gt3A_648 = arith.cmpi sgt, %iota3A_51, %gt3A_647 : vector<32x64xi32>
      %and3A_649 = arith.andi %eq3A_645, %gt3A_648 : vector<32x64xi1>
      %convert_element_type3A_650 = arith.extui %and3A_649 : vector<32x64xi1> to vector<32x64xi32>
      %add3A_651 = arith.addi %add3A_643, %convert_element_type3A_650 : vector<32x64xi32>
      %slice3A_652 = vector.extract_strided_slice %slice3A {offsets = [0, 46], sizes = [32, 1], strides = [1, 1]} : vector<32x64xf32> to vector<32x1xf32>
      %gt3A_653 = vector.broadcast %slice3A_652 : vector<32x1xf32> to vector<32x64xf32>
      %gt3A_654 = arith.cmpf ogt, %gt3A_653, %slice3A : vector<32x64xf32>
      %convert_element_type3A_655 = arith.extui %gt3A_654 : vector<32x64xi1> to vector<32x64xi32>
      %add3A_656 = arith.addi %add3A_651, %convert_element_type3A_655 : vector<32x64xi32>
      %eq3A_657 = vector.broadcast %slice3A_652 : vector<32x1xf32> to vector<32x64xf32>
      %eq3A_658 = arith.cmpf oeq, %eq3A_657, %slice3A : vector<32x64xf32>
      %gt3A_659 = arith.constant 46 : i32
      %gt3A_660 = vector.broadcast %gt3A_659 : i32 to vector<32x64xi32>
      %gt3A_661 = arith.cmpi sgt, %iota3A_51, %gt3A_660 : vector<32x64xi32>
      %and3A_662 = arith.andi %eq3A_658, %gt3A_661 : vector<32x64xi1>
      %convert_element_type3A_663 = arith.extui %and3A_662 : vector<32x64xi1> to vector<32x64xi32>
      %add3A_664 = arith.addi %add3A_656, %convert_element_type3A_663 : vector<32x64xi32>
      %slice3A_665 = vector.extract_strided_slice %slice3A {offsets = [0, 47], sizes = [32, 1], strides = [1, 1]} : vector<32x64xf32> to vector<32x1xf32>
      %gt3A_666 = vector.broadcast %slice3A_665 : vector<32x1xf32> to vector<32x64xf32>
      %gt3A_667 = arith.cmpf ogt, %gt3A_666, %slice3A : vector<32x64xf32>
      %convert_element_type3A_668 = arith.extui %gt3A_667 : vector<32x64xi1> to vector<32x64xi32>
      %add3A_669 = arith.addi %add3A_664, %convert_element_type3A_668 : vector<32x64xi32>
      %eq3A_670 = vector.broadcast %slice3A_665 : vector<32x1xf32> to vector<32x64xf32>
      %eq3A_671 = arith.cmpf oeq, %eq3A_670, %slice3A : vector<32x64xf32>
      %gt3A_672 = arith.constant 47 : i32
      %gt3A_673 = vector.broadcast %gt3A_672 : i32 to vector<32x64xi32>
      %gt3A_674 = arith.cmpi sgt, %iota3A_51, %gt3A_673 : vector<32x64xi32>
      %and3A_675 = arith.andi %eq3A_671, %gt3A_674 : vector<32x64xi1>
      %convert_element_type3A_676 = arith.extui %and3A_675 : vector<32x64xi1> to vector<32x64xi32>
      %add3A_677 = arith.addi %add3A_669, %convert_element_type3A_676 : vector<32x64xi32>
      %slice3A_678 = vector.extract_strided_slice %slice3A {offsets = [0, 48], sizes = [32, 1], strides = [1, 1]} : vector<32x64xf32> to vector<32x1xf32>
      %gt3A_679 = vector.broadcast %slice3A_678 : vector<32x1xf32> to vector<32x64xf32>
      %gt3A_680 = arith.cmpf ogt, %gt3A_679, %slice3A : vector<32x64xf32>
      %convert_element_type3A_681 = arith.extui %gt3A_680 : vector<32x64xi1> to vector<32x64xi32>
      %add3A_682 = arith.addi %add3A_677, %convert_element_type3A_681 : vector<32x64xi32>
      %eq3A_683 = vector.broadcast %slice3A_678 : vector<32x1xf32> to vector<32x64xf32>
      %eq3A_684 = arith.cmpf oeq, %eq3A_683, %slice3A : vector<32x64xf32>
      %gt3A_685 = arith.constant 48 : i32
      %gt3A_686 = vector.broadcast %gt3A_685 : i32 to vector<32x64xi32>
      %gt3A_687 = arith.cmpi sgt, %iota3A_51, %gt3A_686 : vector<32x64xi32>
      %and3A_688 = arith.andi %eq3A_684, %gt3A_687 : vector<32x64xi1>
      %convert_element_type3A_689 = arith.extui %and3A_688 : vector<32x64xi1> to vector<32x64xi32>
      %add3A_690 = arith.addi %add3A_682, %convert_element_type3A_689 : vector<32x64xi32>
      %slice3A_691 = vector.extract_strided_slice %slice3A {offsets = [0, 49], sizes = [32, 1], strides = [1, 1]} : vector<32x64xf32> to vector<32x1xf32>
      %gt3A_692 = vector.broadcast %slice3A_691 : vector<32x1xf32> to vector<32x64xf32>
      %gt3A_693 = arith.cmpf ogt, %gt3A_692, %slice3A : vector<32x64xf32>
      %convert_element_type3A_694 = arith.extui %gt3A_693 : vector<32x64xi1> to vector<32x64xi32>
      %add3A_695 = arith.addi %add3A_690, %convert_element_type3A_694 : vector<32x64xi32>
      %eq3A_696 = vector.broadcast %slice3A_691 : vector<32x1xf32> to vector<32x64xf32>
      %eq3A_697 = arith.cmpf oeq, %eq3A_696, %slice3A : vector<32x64xf32>
      %gt3A_698 = arith.constant 49 : i32
      %gt3A_699 = vector.broadcast %gt3A_698 : i32 to vector<32x64xi32>
      %gt3A_700 = arith.cmpi sgt, %iota3A_51, %gt3A_699 : vector<32x64xi32>
      %and3A_701 = arith.andi %eq3A_697, %gt3A_700 : vector<32x64xi1>
      %convert_element_type3A_702 = arith.extui %and3A_701 : vector<32x64xi1> to vector<32x64xi32>
      %add3A_703 = arith.addi %add3A_695, %convert_element_type3A_702 : vector<32x64xi32>
      %slice3A_704 = vector.extract_strided_slice %slice3A {offsets = [0, 50], sizes = [32, 1], strides = [1, 1]} : vector<32x64xf32> to vector<32x1xf32>
      %gt3A_705 = vector.broadcast %slice3A_704 : vector<32x1xf32> to vector<32x64xf32>
      %gt3A_706 = arith.cmpf ogt, %gt3A_705, %slice3A : vector<32x64xf32>
      %convert_element_type3A_707 = arith.extui %gt3A_706 : vector<32x64xi1> to vector<32x64xi32>
      %add3A_708 = arith.addi %add3A_703, %convert_element_type3A_707 : vector<32x64xi32>
      %eq3A_709 = vector.broadcast %slice3A_704 : vector<32x1xf32> to vector<32x64xf32>
      %eq3A_710 = arith.cmpf oeq, %eq3A_709, %slice3A : vector<32x64xf32>
      %gt3A_711 = arith.constant 50 : i32
      %gt3A_712 = vector.broadcast %gt3A_711 : i32 to vector<32x64xi32>
      %gt3A_713 = arith.cmpi sgt, %iota3A_51, %gt3A_712 : vector<32x64xi32>
      %and3A_714 = arith.andi %eq3A_710, %gt3A_713 : vector<32x64xi1>
      %convert_element_type3A_715 = arith.extui %and3A_714 : vector<32x64xi1> to vector<32x64xi32>
      %add3A_716 = arith.addi %add3A_708, %convert_element_type3A_715 : vector<32x64xi32>
      %slice3A_717 = vector.extract_strided_slice %slice3A {offsets = [0, 51], sizes = [32, 1], strides = [1, 1]} : vector<32x64xf32> to vector<32x1xf32>
      %gt3A_718 = vector.broadcast %slice3A_717 : vector<32x1xf32> to vector<32x64xf32>
      %gt3A_719 = arith.cmpf ogt, %gt3A_718, %slice3A : vector<32x64xf32>
      %convert_element_type3A_720 = arith.extui %gt3A_719 : vector<32x64xi1> to vector<32x64xi32>
      %add3A_721 = arith.addi %add3A_716, %convert_element_type3A_720 : vector<32x64xi32>
      %eq3A_722 = vector.broadcast %slice3A_717 : vector<32x1xf32> to vector<32x64xf32>
      %eq3A_723 = arith.cmpf oeq, %eq3A_722, %slice3A : vector<32x64xf32>
      %gt3A_724 = arith.constant 51 : i32
      %gt3A_725 = vector.broadcast %gt3A_724 : i32 to vector<32x64xi32>
      %gt3A_726 = arith.cmpi sgt, %iota3A_51, %gt3A_725 : vector<32x64xi32>
      %and3A_727 = arith.andi %eq3A_723, %gt3A_726 : vector<32x64xi1>
      %convert_element_type3A_728 = arith.extui %and3A_727 : vector<32x64xi1> to vector<32x64xi32>
      %add3A_729 = arith.addi %add3A_721, %convert_element_type3A_728 : vector<32x64xi32>
      %slice3A_730 = vector.extract_strided_slice %slice3A {offsets = [0, 52], sizes = [32, 1], strides = [1, 1]} : vector<32x64xf32> to vector<32x1xf32>
      %gt3A_731 = vector.broadcast %slice3A_730 : vector<32x1xf32> to vector<32x64xf32>
      %gt3A_732 = arith.cmpf ogt, %gt3A_731, %slice3A : vector<32x64xf32>
      %convert_element_type3A_733 = arith.extui %gt3A_732 : vector<32x64xi1> to vector<32x64xi32>
      %add3A_734 = arith.addi %add3A_729, %convert_element_type3A_733 : vector<32x64xi32>
      %eq3A_735 = vector.broadcast %slice3A_730 : vector<32x1xf32> to vector<32x64xf32>
      %eq3A_736 = arith.cmpf oeq, %eq3A_735, %slice3A : vector<32x64xf32>
      %gt3A_737 = arith.constant 52 : i32
      %gt3A_738 = vector.broadcast %gt3A_737 : i32 to vector<32x64xi32>
      %gt3A_739 = arith.cmpi sgt, %iota3A_51, %gt3A_738 : vector<32x64xi32>
      %and3A_740 = arith.andi %eq3A_736, %gt3A_739 : vector<32x64xi1>
      %convert_element_type3A_741 = arith.extui %and3A_740 : vector<32x64xi1> to vector<32x64xi32>
      %add3A_742 = arith.addi %add3A_734, %convert_element_type3A_741 : vector<32x64xi32>
      %slice3A_743 = vector.extract_strided_slice %slice3A {offsets = [0, 53], sizes = [32, 1], strides = [1, 1]} : vector<32x64xf32> to vector<32x1xf32>
      %gt3A_744 = vector.broadcast %slice3A_743 : vector<32x1xf32> to vector<32x64xf32>
      %gt3A_745 = arith.cmpf ogt, %gt3A_744, %slice3A : vector<32x64xf32>
      %convert_element_type3A_746 = arith.extui %gt3A_745 : vector<32x64xi1> to vector<32x64xi32>
      %add3A_747 = arith.addi %add3A_742, %convert_element_type3A_746 : vector<32x64xi32>
      %eq3A_748 = vector.broadcast %slice3A_743 : vector<32x1xf32> to vector<32x64xf32>
      %eq3A_749 = arith.cmpf oeq, %eq3A_748, %slice3A : vector<32x64xf32>
      %gt3A_750 = arith.constant 53 : i32
      %gt3A_751 = vector.broadcast %gt3A_750 : i32 to vector<32x64xi32>
      %gt3A_752 = arith.cmpi sgt, %iota3A_51, %gt3A_751 : vector<32x64xi32>
      %and3A_753 = arith.andi %eq3A_749, %gt3A_752 : vector<32x64xi1>
      %convert_element_type3A_754 = arith.extui %and3A_753 : vector<32x64xi1> to vector<32x64xi32>
      %add3A_755 = arith.addi %add3A_747, %convert_element_type3A_754 : vector<32x64xi32>
      %slice3A_756 = vector.extract_strided_slice %slice3A {offsets = [0, 54], sizes = [32, 1], strides = [1, 1]} : vector<32x64xf32> to vector<32x1xf32>
      %gt3A_757 = vector.broadcast %slice3A_756 : vector<32x1xf32> to vector<32x64xf32>
      %gt3A_758 = arith.cmpf ogt, %gt3A_757, %slice3A : vector<32x64xf32>
      %convert_element_type3A_759 = arith.extui %gt3A_758 : vector<32x64xi1> to vector<32x64xi32>
      %add3A_760 = arith.addi %add3A_755, %convert_element_type3A_759 : vector<32x64xi32>
      %eq3A_761 = vector.broadcast %slice3A_756 : vector<32x1xf32> to vector<32x64xf32>
      %eq3A_762 = arith.cmpf oeq, %eq3A_761, %slice3A : vector<32x64xf32>
      %gt3A_763 = arith.constant 54 : i32
      %gt3A_764 = vector.broadcast %gt3A_763 : i32 to vector<32x64xi32>
      %gt3A_765 = arith.cmpi sgt, %iota3A_51, %gt3A_764 : vector<32x64xi32>
      %and3A_766 = arith.andi %eq3A_762, %gt3A_765 : vector<32x64xi1>
      %convert_element_type3A_767 = arith.extui %and3A_766 : vector<32x64xi1> to vector<32x64xi32>
      %add3A_768 = arith.addi %add3A_760, %convert_element_type3A_767 : vector<32x64xi32>
      %slice3A_769 = vector.extract_strided_slice %slice3A {offsets = [0, 55], sizes = [32, 1], strides = [1, 1]} : vector<32x64xf32> to vector<32x1xf32>
      %gt3A_770 = vector.broadcast %slice3A_769 : vector<32x1xf32> to vector<32x64xf32>
      %gt3A_771 = arith.cmpf ogt, %gt3A_770, %slice3A : vector<32x64xf32>
      %convert_element_type3A_772 = arith.extui %gt3A_771 : vector<32x64xi1> to vector<32x64xi32>
      %add3A_773 = arith.addi %add3A_768, %convert_element_type3A_772 : vector<32x64xi32>
      %eq3A_774 = vector.broadcast %slice3A_769 : vector<32x1xf32> to vector<32x64xf32>
      %eq3A_775 = arith.cmpf oeq, %eq3A_774, %slice3A : vector<32x64xf32>
      %gt3A_776 = arith.constant 55 : i32
      %gt3A_777 = vector.broadcast %gt3A_776 : i32 to vector<32x64xi32>
      %gt3A_778 = arith.cmpi sgt, %iota3A_51, %gt3A_777 : vector<32x64xi32>
      %and3A_779 = arith.andi %eq3A_775, %gt3A_778 : vector<32x64xi1>
      %convert_element_type3A_780 = arith.extui %and3A_779 : vector<32x64xi1> to vector<32x64xi32>
      %add3A_781 = arith.addi %add3A_773, %convert_element_type3A_780 : vector<32x64xi32>
      %slice3A_782 = vector.extract_strided_slice %slice3A {offsets = [0, 56], sizes = [32, 1], strides = [1, 1]} : vector<32x64xf32> to vector<32x1xf32>
      %gt3A_783 = vector.broadcast %slice3A_782 : vector<32x1xf32> to vector<32x64xf32>
      %gt3A_784 = arith.cmpf ogt, %gt3A_783, %slice3A : vector<32x64xf32>
      %convert_element_type3A_785 = arith.extui %gt3A_784 : vector<32x64xi1> to vector<32x64xi32>
      %add3A_786 = arith.addi %add3A_781, %convert_element_type3A_785 : vector<32x64xi32>
      %eq3A_787 = vector.broadcast %slice3A_782 : vector<32x1xf32> to vector<32x64xf32>
      %eq3A_788 = arith.cmpf oeq, %eq3A_787, %slice3A : vector<32x64xf32>
      %gt3A_789 = arith.constant 56 : i32
      %gt3A_790 = vector.broadcast %gt3A_789 : i32 to vector<32x64xi32>
      %gt3A_791 = arith.cmpi sgt, %iota3A_51, %gt3A_790 : vector<32x64xi32>
      %and3A_792 = arith.andi %eq3A_788, %gt3A_791 : vector<32x64xi1>
      %convert_element_type3A_793 = arith.extui %and3A_792 : vector<32x64xi1> to vector<32x64xi32>
      %add3A_794 = arith.addi %add3A_786, %convert_element_type3A_793 : vector<32x64xi32>
      %slice3A_795 = vector.extract_strided_slice %slice3A {offsets = [0, 57], sizes = [32, 1], strides = [1, 1]} : vector<32x64xf32> to vector<32x1xf32>
      %gt3A_796 = vector.broadcast %slice3A_795 : vector<32x1xf32> to vector<32x64xf32>
      %gt3A_797 = arith.cmpf ogt, %gt3A_796, %slice3A : vector<32x64xf32>
      %convert_element_type3A_798 = arith.extui %gt3A_797 : vector<32x64xi1> to vector<32x64xi32>
      %add3A_799 = arith.addi %add3A_794, %convert_element_type3A_798 : vector<32x64xi32>
      %eq3A_800 = vector.broadcast %slice3A_795 : vector<32x1xf32> to vector<32x64xf32>
      %eq3A_801 = arith.cmpf oeq, %eq3A_800, %slice3A : vector<32x64xf32>
      %gt3A_802 = arith.constant 57 : i32
      %gt3A_803 = vector.broadcast %gt3A_802 : i32 to vector<32x64xi32>
      %gt3A_804 = arith.cmpi sgt, %iota3A_51, %gt3A_803 : vector<32x64xi32>
      %and3A_805 = arith.andi %eq3A_801, %gt3A_804 : vector<32x64xi1>
      %convert_element_type3A_806 = arith.extui %and3A_805 : vector<32x64xi1> to vector<32x64xi32>
      %add3A_807 = arith.addi %add3A_799, %convert_element_type3A_806 : vector<32x64xi32>
      %slice3A_808 = vector.extract_strided_slice %slice3A {offsets = [0, 58], sizes = [32, 1], strides = [1, 1]} : vector<32x64xf32> to vector<32x1xf32>
      %gt3A_809 = vector.broadcast %slice3A_808 : vector<32x1xf32> to vector<32x64xf32>
      %gt3A_810 = arith.cmpf ogt, %gt3A_809, %slice3A : vector<32x64xf32>
      %convert_element_type3A_811 = arith.extui %gt3A_810 : vector<32x64xi1> to vector<32x64xi32>
      %add3A_812 = arith.addi %add3A_807, %convert_element_type3A_811 : vector<32x64xi32>
      %eq3A_813 = vector.broadcast %slice3A_808 : vector<32x1xf32> to vector<32x64xf32>
      %eq3A_814 = arith.cmpf oeq, %eq3A_813, %slice3A : vector<32x64xf32>
      %gt3A_815 = arith.constant 58 : i32
      %gt3A_816 = vector.broadcast %gt3A_815 : i32 to vector<32x64xi32>
      %gt3A_817 = arith.cmpi sgt, %iota3A_51, %gt3A_816 : vector<32x64xi32>
      %and3A_818 = arith.andi %eq3A_814, %gt3A_817 : vector<32x64xi1>
      %convert_element_type3A_819 = arith.extui %and3A_818 : vector<32x64xi1> to vector<32x64xi32>
      %add3A_820 = arith.addi %add3A_812, %convert_element_type3A_819 : vector<32x64xi32>
      %slice3A_821 = vector.extract_strided_slice %slice3A {offsets = [0, 59], sizes = [32, 1], strides = [1, 1]} : vector<32x64xf32> to vector<32x1xf32>
      %gt3A_822 = vector.broadcast %slice3A_821 : vector<32x1xf32> to vector<32x64xf32>
      %gt3A_823 = arith.cmpf ogt, %gt3A_822, %slice3A : vector<32x64xf32>
      %convert_element_type3A_824 = arith.extui %gt3A_823 : vector<32x64xi1> to vector<32x64xi32>
      %add3A_825 = arith.addi %add3A_820, %convert_element_type3A_824 : vector<32x64xi32>
      %eq3A_826 = vector.broadcast %slice3A_821 : vector<32x1xf32> to vector<32x64xf32>
      %eq3A_827 = arith.cmpf oeq, %eq3A_826, %slice3A : vector<32x64xf32>
      %gt3A_828 = arith.constant 59 : i32
      %gt3A_829 = vector.broadcast %gt3A_828 : i32 to vector<32x64xi32>
      %gt3A_830 = arith.cmpi sgt, %iota3A_51, %gt3A_829 : vector<32x64xi32>
      %and3A_831 = arith.andi %eq3A_827, %gt3A_830 : vector<32x64xi1>
      %convert_element_type3A_832 = arith.extui %and3A_831 : vector<32x64xi1> to vector<32x64xi32>
      %add3A_833 = arith.addi %add3A_825, %convert_element_type3A_832 : vector<32x64xi32>
      %slice3A_834 = vector.extract_strided_slice %slice3A {offsets = [0, 60], sizes = [32, 1], strides = [1, 1]} : vector<32x64xf32> to vector<32x1xf32>
      %gt3A_835 = vector.broadcast %slice3A_834 : vector<32x1xf32> to vector<32x64xf32>
      %gt3A_836 = arith.cmpf ogt, %gt3A_835, %slice3A : vector<32x64xf32>
      %convert_element_type3A_837 = arith.extui %gt3A_836 : vector<32x64xi1> to vector<32x64xi32>
      %add3A_838 = arith.addi %add3A_833, %convert_element_type3A_837 : vector<32x64xi32>
      %eq3A_839 = vector.broadcast %slice3A_834 : vector<32x1xf32> to vector<32x64xf32>
      %eq3A_840 = arith.cmpf oeq, %eq3A_839, %slice3A : vector<32x64xf32>
      %gt3A_841 = arith.constant 60 : i32
      %gt3A_842 = vector.broadcast %gt3A_841 : i32 to vector<32x64xi32>
      %gt3A_843 = arith.cmpi sgt, %iota3A_51, %gt3A_842 : vector<32x64xi32>
      %and3A_844 = arith.andi %eq3A_840, %gt3A_843 : vector<32x64xi1>
      %convert_element_type3A_845 = arith.extui %and3A_844 : vector<32x64xi1> to vector<32x64xi32>
      %add3A_846 = arith.addi %add3A_838, %convert_element_type3A_845 : vector<32x64xi32>
      %slice3A_847 = vector.extract_strided_slice %slice3A {offsets = [0, 61], sizes = [32, 1], strides = [1, 1]} : vector<32x64xf32> to vector<32x1xf32>
      %gt3A_848 = vector.broadcast %slice3A_847 : vector<32x1xf32> to vector<32x64xf32>
      %gt3A_849 = arith.cmpf ogt, %gt3A_848, %slice3A : vector<32x64xf32>
      %convert_element_type3A_850 = arith.extui %gt3A_849 : vector<32x64xi1> to vector<32x64xi32>
      %add3A_851 = arith.addi %add3A_846, %convert_element_type3A_850 : vector<32x64xi32>
      %eq3A_852 = vector.broadcast %slice3A_847 : vector<32x1xf32> to vector<32x64xf32>
      %eq3A_853 = arith.cmpf oeq, %eq3A_852, %slice3A : vector<32x64xf32>
      %gt3A_854 = arith.constant 61 : i32
      %gt3A_855 = vector.broadcast %gt3A_854 : i32 to vector<32x64xi32>
      %gt3A_856 = arith.cmpi sgt, %iota3A_51, %gt3A_855 : vector<32x64xi32>
      %and3A_857 = arith.andi %eq3A_853, %gt3A_856 : vector<32x64xi1>
      %convert_element_type3A_858 = arith.extui %and3A_857 : vector<32x64xi1> to vector<32x64xi32>
      %add3A_859 = arith.addi %add3A_851, %convert_element_type3A_858 : vector<32x64xi32>
      %slice3A_860 = vector.extract_strided_slice %slice3A {offsets = [0, 62], sizes = [32, 1], strides = [1, 1]} : vector<32x64xf32> to vector<32x1xf32>
      %gt3A_861 = vector.broadcast %slice3A_860 : vector<32x1xf32> to vector<32x64xf32>
      %gt3A_862 = arith.cmpf ogt, %gt3A_861, %slice3A : vector<32x64xf32>
      %convert_element_type3A_863 = arith.extui %gt3A_862 : vector<32x64xi1> to vector<32x64xi32>
      %add3A_864 = arith.addi %add3A_859, %convert_element_type3A_863 : vector<32x64xi32>
      %eq3A_865 = vector.broadcast %slice3A_860 : vector<32x1xf32> to vector<32x64xf32>
      %eq3A_866 = arith.cmpf oeq, %eq3A_865, %slice3A : vector<32x64xf32>
      %gt3A_867 = arith.constant 62 : i32
      %gt3A_868 = vector.broadcast %gt3A_867 : i32 to vector<32x64xi32>
      %gt3A_869 = arith.cmpi sgt, %iota3A_51, %gt3A_868 : vector<32x64xi32>
      %and3A_870 = arith.andi %eq3A_866, %gt3A_869 : vector<32x64xi1>
      %convert_element_type3A_871 = arith.extui %and3A_870 : vector<32x64xi1> to vector<32x64xi32>
      %add3A_872 = arith.addi %add3A_864, %convert_element_type3A_871 : vector<32x64xi32>
      %slice3A_873 = vector.extract_strided_slice %slice3A {offsets = [0, 63], sizes = [32, 1], strides = [1, 1]} : vector<32x64xf32> to vector<32x1xf32>
      %gt3A_874 = vector.broadcast %slice3A_873 : vector<32x1xf32> to vector<32x64xf32>
      %gt3A_875 = arith.cmpf ogt, %gt3A_874, %slice3A : vector<32x64xf32>
      %convert_element_type3A_876 = arith.extui %gt3A_875 : vector<32x64xi1> to vector<32x64xi32>
      %add3A_877 = arith.addi %add3A_872, %convert_element_type3A_876 : vector<32x64xi32>
      %eq3A_878 = vector.broadcast %slice3A_873 : vector<32x1xf32> to vector<32x64xf32>
      %eq3A_879 = arith.cmpf oeq, %eq3A_878, %slice3A : vector<32x64xf32>
      %gt3A_880 = arith.constant 63 : i32
      %gt3A_881 = vector.broadcast %gt3A_880 : i32 to vector<32x64xi32>
      %gt3A_882 = arith.cmpi sgt, %iota3A_51, %gt3A_881 : vector<32x64xi32>
      %and3A_883 = arith.andi %eq3A_879, %gt3A_882 : vector<32x64xi1>
      %convert_element_type3A_884 = arith.extui %and3A_883 : vector<32x64xi1> to vector<32x64xi32>
      %add3A_885 = arith.addi %add3A_877, %convert_element_type3A_884 : vector<32x64xi32>
      %broadcast_in_dim3A_886 = arith.constant 1.000000e+00 : f32
      %broadcast_in_dim3A_887 = vector.broadcast %broadcast_in_dim3A_886 : f32 to vector<32x64xf32>
      %eq3A_888 = arith.constant 0 : i32
      %eq3A_889 = vector.broadcast %eq3A_888 : i32 to vector<32x64xi32>
      %eq3A_890 = arith.cmpi eq, %add3A_885, %eq3A_889 : vector<32x64xi32>
      %slice3A_891 = vector.extract_strided_slice %dot_general3A_50 {offsets = [0, 0], sizes = [32, 1], strides = [1, 1]} : vector<32x32xf32> to vector<32x1xf32>
      %broadcast_in_dim3A_892 = vector.shape_cast %slice3A_891 : vector<32x1xf32> to vector<32x1xf32>
      %broadcast_in_dim3A_893 = vector.broadcast %broadcast_in_dim3A_892 : vector<32x1xf32> to vector<32x64xf32>
      %select_n3A = arith.select %eq3A_890, %broadcast_in_dim3A_893, %broadcast_in_dim3A_887 : vector<32x64xi1>, vector<32x64xf32>
      %eq3A_894 = arith.constant 1 : i32
      %eq3A_895 = vector.broadcast %eq3A_894 : i32 to vector<32x64xi32>
      %eq3A_896 = arith.cmpi eq, %add3A_885, %eq3A_895 : vector<32x64xi32>
      %slice3A_897 = vector.extract_strided_slice %dot_general3A_50 {offsets = [0, 1], sizes = [32, 1], strides = [1, 1]} : vector<32x32xf32> to vector<32x1xf32>
      %broadcast_in_dim3A_898 = vector.shape_cast %slice3A_897 : vector<32x1xf32> to vector<32x1xf32>
      %broadcast_in_dim3A_899 = vector.broadcast %broadcast_in_dim3A_898 : vector<32x1xf32> to vector<32x64xf32>
      %select_n3A_900 = arith.select %eq3A_896, %broadcast_in_dim3A_899, %select_n3A : vector<32x64xi1>, vector<32x64xf32>
      %eq3A_901 = arith.constant 2 : i32
      %eq3A_902 = vector.broadcast %eq3A_901 : i32 to vector<32x64xi32>
      %eq3A_903 = arith.cmpi eq, %add3A_885, %eq3A_902 : vector<32x64xi32>
      %slice3A_904 = vector.extract_strided_slice %dot_general3A_50 {offsets = [0, 2], sizes = [32, 1], strides = [1, 1]} : vector<32x32xf32> to vector<32x1xf32>
      %broadcast_in_dim3A_905 = vector.shape_cast %slice3A_904 : vector<32x1xf32> to vector<32x1xf32>
      %broadcast_in_dim3A_906 = vector.broadcast %broadcast_in_dim3A_905 : vector<32x1xf32> to vector<32x64xf32>
      %select_n3A_907 = arith.select %eq3A_903, %broadcast_in_dim3A_906, %select_n3A_900 : vector<32x64xi1>, vector<32x64xf32>
      %eq3A_908 = arith.constant 3 : i32
      %eq3A_909 = vector.broadcast %eq3A_908 : i32 to vector<32x64xi32>
      %eq3A_910 = arith.cmpi eq, %add3A_885, %eq3A_909 : vector<32x64xi32>
      %slice3A_911 = vector.extract_strided_slice %dot_general3A_50 {offsets = [0, 3], sizes = [32, 1], strides = [1, 1]} : vector<32x32xf32> to vector<32x1xf32>
      %broadcast_in_dim3A_912 = vector.shape_cast %slice3A_911 : vector<32x1xf32> to vector<32x1xf32>
      %broadcast_in_dim3A_913 = vector.broadcast %broadcast_in_dim3A_912 : vector<32x1xf32> to vector<32x64xf32>
      %select_n3A_914 = arith.select %eq3A_910, %broadcast_in_dim3A_913, %select_n3A_907 : vector<32x64xi1>, vector<32x64xf32>
      %eq3A_915 = arith.constant 4 : i32
      %eq3A_916 = vector.broadcast %eq3A_915 : i32 to vector<32x64xi32>
      %eq3A_917 = arith.cmpi eq, %add3A_885, %eq3A_916 : vector<32x64xi32>
      %slice3A_918 = vector.extract_strided_slice %dot_general3A_50 {offsets = [0, 4], sizes = [32, 1], strides = [1, 1]} : vector<32x32xf32> to vector<32x1xf32>
      %broadcast_in_dim3A_919 = vector.shape_cast %slice3A_918 : vector<32x1xf32> to vector<32x1xf32>
      %broadcast_in_dim3A_920 = vector.broadcast %broadcast_in_dim3A_919 : vector<32x1xf32> to vector<32x64xf32>
      %select_n3A_921 = arith.select %eq3A_917, %broadcast_in_dim3A_920, %select_n3A_914 : vector<32x64xi1>, vector<32x64xf32>
      %eq3A_922 = arith.constant 5 : i32
      %eq3A_923 = vector.broadcast %eq3A_922 : i32 to vector<32x64xi32>
      %eq3A_924 = arith.cmpi eq, %add3A_885, %eq3A_923 : vector<32x64xi32>
      %slice3A_925 = vector.extract_strided_slice %dot_general3A_50 {offsets = [0, 5], sizes = [32, 1], strides = [1, 1]} : vector<32x32xf32> to vector<32x1xf32>
      %broadcast_in_dim3A_926 = vector.shape_cast %slice3A_925 : vector<32x1xf32> to vector<32x1xf32>
      %broadcast_in_dim3A_927 = vector.broadcast %broadcast_in_dim3A_926 : vector<32x1xf32> to vector<32x64xf32>
      %select_n3A_928 = arith.select %eq3A_924, %broadcast_in_dim3A_927, %select_n3A_921 : vector<32x64xi1>, vector<32x64xf32>
      %eq3A_929 = arith.constant 6 : i32
      %eq3A_930 = vector.broadcast %eq3A_929 : i32 to vector<32x64xi32>
      %eq3A_931 = arith.cmpi eq, %add3A_885, %eq3A_930 : vector<32x64xi32>
      %slice3A_932 = vector.extract_strided_slice %dot_general3A_50 {offsets = [0, 6], sizes = [32, 1], strides = [1, 1]} : vector<32x32xf32> to vector<32x1xf32>
      %broadcast_in_dim3A_933 = vector.shape_cast %slice3A_932 : vector<32x1xf32> to vector<32x1xf32>
      %broadcast_in_dim3A_934 = vector.broadcast %broadcast_in_dim3A_933 : vector<32x1xf32> to vector<32x64xf32>
      %select_n3A_935 = arith.select %eq3A_931, %broadcast_in_dim3A_934, %select_n3A_928 : vector<32x64xi1>, vector<32x64xf32>
      %eq3A_936 = arith.constant 7 : i32
      %eq3A_937 = vector.broadcast %eq3A_936 : i32 to vector<32x64xi32>
      %eq3A_938 = arith.cmpi eq, %add3A_885, %eq3A_937 : vector<32x64xi32>
      %slice3A_939 = vector.extract_strided_slice %dot_general3A_50 {offsets = [0, 7], sizes = [32, 1], strides = [1, 1]} : vector<32x32xf32> to vector<32x1xf32>
      %broadcast_in_dim3A_940 = vector.shape_cast %slice3A_939 : vector<32x1xf32> to vector<32x1xf32>
      %broadcast_in_dim3A_941 = vector.broadcast %broadcast_in_dim3A_940 : vector<32x1xf32> to vector<32x64xf32>
      %select_n3A_942 = arith.select %eq3A_938, %broadcast_in_dim3A_941, %select_n3A_935 : vector<32x64xi1>, vector<32x64xf32>
      %eq3A_943 = arith.constant 8 : i32
      %eq3A_944 = vector.broadcast %eq3A_943 : i32 to vector<32x64xi32>
      %eq3A_945 = arith.cmpi eq, %add3A_885, %eq3A_944 : vector<32x64xi32>
      %slice3A_946 = vector.extract_strided_slice %dot_general3A_50 {offsets = [0, 8], sizes = [32, 1], strides = [1, 1]} : vector<32x32xf32> to vector<32x1xf32>
      %broadcast_in_dim3A_947 = vector.shape_cast %slice3A_946 : vector<32x1xf32> to vector<32x1xf32>
      %broadcast_in_dim3A_948 = vector.broadcast %broadcast_in_dim3A_947 : vector<32x1xf32> to vector<32x64xf32>
      %select_n3A_949 = arith.select %eq3A_945, %broadcast_in_dim3A_948, %select_n3A_942 : vector<32x64xi1>, vector<32x64xf32>
      %eq3A_950 = arith.constant 9 : i32
      %eq3A_951 = vector.broadcast %eq3A_950 : i32 to vector<32x64xi32>
      %eq3A_952 = arith.cmpi eq, %add3A_885, %eq3A_951 : vector<32x64xi32>
      %slice3A_953 = vector.extract_strided_slice %dot_general3A_50 {offsets = [0, 9], sizes = [32, 1], strides = [1, 1]} : vector<32x32xf32> to vector<32x1xf32>
      %broadcast_in_dim3A_954 = vector.shape_cast %slice3A_953 : vector<32x1xf32> to vector<32x1xf32>
      %broadcast_in_dim3A_955 = vector.broadcast %broadcast_in_dim3A_954 : vector<32x1xf32> to vector<32x64xf32>
      %select_n3A_956 = arith.select %eq3A_952, %broadcast_in_dim3A_955, %select_n3A_949 : vector<32x64xi1>, vector<32x64xf32>
      %eq3A_957 = arith.constant 10 : i32
      %eq3A_958 = vector.broadcast %eq3A_957 : i32 to vector<32x64xi32>
      %eq3A_959 = arith.cmpi eq, %add3A_885, %eq3A_958 : vector<32x64xi32>
      %slice3A_960 = vector.extract_strided_slice %dot_general3A_50 {offsets = [0, 10], sizes = [32, 1], strides = [1, 1]} : vector<32x32xf32> to vector<32x1xf32>
      %broadcast_in_dim3A_961 = vector.shape_cast %slice3A_960 : vector<32x1xf32> to vector<32x1xf32>
      %broadcast_in_dim3A_962 = vector.broadcast %broadcast_in_dim3A_961 : vector<32x1xf32> to vector<32x64xf32>
      %select_n3A_963 = arith.select %eq3A_959, %broadcast_in_dim3A_962, %select_n3A_956 : vector<32x64xi1>, vector<32x64xf32>
      %eq3A_964 = arith.constant 11 : i32
      %eq3A_965 = vector.broadcast %eq3A_964 : i32 to vector<32x64xi32>
      %eq3A_966 = arith.cmpi eq, %add3A_885, %eq3A_965 : vector<32x64xi32>
      %slice3A_967 = vector.extract_strided_slice %dot_general3A_50 {offsets = [0, 11], sizes = [32, 1], strides = [1, 1]} : vector<32x32xf32> to vector<32x1xf32>
      %broadcast_in_dim3A_968 = vector.shape_cast %slice3A_967 : vector<32x1xf32> to vector<32x1xf32>
      %broadcast_in_dim3A_969 = vector.broadcast %broadcast_in_dim3A_968 : vector<32x1xf32> to vector<32x64xf32>
      %select_n3A_970 = arith.select %eq3A_966, %broadcast_in_dim3A_969, %select_n3A_963 : vector<32x64xi1>, vector<32x64xf32>
      %eq3A_971 = arith.constant 12 : i32
      %eq3A_972 = vector.broadcast %eq3A_971 : i32 to vector<32x64xi32>
      %eq3A_973 = arith.cmpi eq, %add3A_885, %eq3A_972 : vector<32x64xi32>
      %slice3A_974 = vector.extract_strided_slice %dot_general3A_50 {offsets = [0, 12], sizes = [32, 1], strides = [1, 1]} : vector<32x32xf32> to vector<32x1xf32>
      %broadcast_in_dim3A_975 = vector.shape_cast %slice3A_974 : vector<32x1xf32> to vector<32x1xf32>
      %broadcast_in_dim3A_976 = vector.broadcast %broadcast_in_dim3A_975 : vector<32x1xf32> to vector<32x64xf32>
      %select_n3A_977 = arith.select %eq3A_973, %broadcast_in_dim3A_976, %select_n3A_970 : vector<32x64xi1>, vector<32x64xf32>
      %eq3A_978 = arith.constant 13 : i32
      %eq3A_979 = vector.broadcast %eq3A_978 : i32 to vector<32x64xi32>
      %eq3A_980 = arith.cmpi eq, %add3A_885, %eq3A_979 : vector<32x64xi32>
      %slice3A_981 = vector.extract_strided_slice %dot_general3A_50 {offsets = [0, 13], sizes = [32, 1], strides = [1, 1]} : vector<32x32xf32> to vector<32x1xf32>
      %broadcast_in_dim3A_982 = vector.shape_cast %slice3A_981 : vector<32x1xf32> to vector<32x1xf32>
      %broadcast_in_dim3A_983 = vector.broadcast %broadcast_in_dim3A_982 : vector<32x1xf32> to vector<32x64xf32>
      %select_n3A_984 = arith.select %eq3A_980, %broadcast_in_dim3A_983, %select_n3A_977 : vector<32x64xi1>, vector<32x64xf32>
      %eq3A_985 = arith.constant 14 : i32
      %eq3A_986 = vector.broadcast %eq3A_985 : i32 to vector<32x64xi32>
      %eq3A_987 = arith.cmpi eq, %add3A_885, %eq3A_986 : vector<32x64xi32>
      %slice3A_988 = vector.extract_strided_slice %dot_general3A_50 {offsets = [0, 14], sizes = [32, 1], strides = [1, 1]} : vector<32x32xf32> to vector<32x1xf32>
      %broadcast_in_dim3A_989 = vector.shape_cast %slice3A_988 : vector<32x1xf32> to vector<32x1xf32>
      %broadcast_in_dim3A_990 = vector.broadcast %broadcast_in_dim3A_989 : vector<32x1xf32> to vector<32x64xf32>
      %select_n3A_991 = arith.select %eq3A_987, %broadcast_in_dim3A_990, %select_n3A_984 : vector<32x64xi1>, vector<32x64xf32>
      %eq3A_992 = arith.constant 15 : i32
      %eq3A_993 = vector.broadcast %eq3A_992 : i32 to vector<32x64xi32>
      %eq3A_994 = arith.cmpi eq, %add3A_885, %eq3A_993 : vector<32x64xi32>
      %slice3A_995 = vector.extract_strided_slice %dot_general3A_50 {offsets = [0, 15], sizes = [32, 1], strides = [1, 1]} : vector<32x32xf32> to vector<32x1xf32>
      %broadcast_in_dim3A_996 = vector.shape_cast %slice3A_995 : vector<32x1xf32> to vector<32x1xf32>
      %broadcast_in_dim3A_997 = vector.broadcast %broadcast_in_dim3A_996 : vector<32x1xf32> to vector<32x64xf32>
      %select_n3A_998 = arith.select %eq3A_994, %broadcast_in_dim3A_997, %select_n3A_991 : vector<32x64xi1>, vector<32x64xf32>
      %eq3A_999 = arith.constant 16 : i32
      %eq3A_1000 = vector.broadcast %eq3A_999 : i32 to vector<32x64xi32>
      %eq3A_1001 = arith.cmpi eq, %add3A_885, %eq3A_1000 : vector<32x64xi32>
      %slice3A_1002 = vector.extract_strided_slice %dot_general3A_50 {offsets = [0, 16], sizes = [32, 1], strides = [1, 1]} : vector<32x32xf32> to vector<32x1xf32>
      %broadcast_in_dim3A_1003 = vector.shape_cast %slice3A_1002 : vector<32x1xf32> to vector<32x1xf32>
      %broadcast_in_dim3A_1004 = vector.broadcast %broadcast_in_dim3A_1003 : vector<32x1xf32> to vector<32x64xf32>
      %select_n3A_1005 = arith.select %eq3A_1001, %broadcast_in_dim3A_1004, %select_n3A_998 : vector<32x64xi1>, vector<32x64xf32>
      %eq3A_1006 = arith.constant 17 : i32
      %eq3A_1007 = vector.broadcast %eq3A_1006 : i32 to vector<32x64xi32>
      %eq3A_1008 = arith.cmpi eq, %add3A_885, %eq3A_1007 : vector<32x64xi32>
      %slice3A_1009 = vector.extract_strided_slice %dot_general3A_50 {offsets = [0, 17], sizes = [32, 1], strides = [1, 1]} : vector<32x32xf32> to vector<32x1xf32>
      %broadcast_in_dim3A_1010 = vector.shape_cast %slice3A_1009 : vector<32x1xf32> to vector<32x1xf32>
      %broadcast_in_dim3A_1011 = vector.broadcast %broadcast_in_dim3A_1010 : vector<32x1xf32> to vector<32x64xf32>
      %select_n3A_1012 = arith.select %eq3A_1008, %broadcast_in_dim3A_1011, %select_n3A_1005 : vector<32x64xi1>, vector<32x64xf32>
      %eq3A_1013 = arith.constant 18 : i32
      %eq3A_1014 = vector.broadcast %eq3A_1013 : i32 to vector<32x64xi32>
      %eq3A_1015 = arith.cmpi eq, %add3A_885, %eq3A_1014 : vector<32x64xi32>
      %slice3A_1016 = vector.extract_strided_slice %dot_general3A_50 {offsets = [0, 18], sizes = [32, 1], strides = [1, 1]} : vector<32x32xf32> to vector<32x1xf32>
      %broadcast_in_dim3A_1017 = vector.shape_cast %slice3A_1016 : vector<32x1xf32> to vector<32x1xf32>
      %broadcast_in_dim3A_1018 = vector.broadcast %broadcast_in_dim3A_1017 : vector<32x1xf32> to vector<32x64xf32>
      %select_n3A_1019 = arith.select %eq3A_1015, %broadcast_in_dim3A_1018, %select_n3A_1012 : vector<32x64xi1>, vector<32x64xf32>
      %eq3A_1020 = arith.constant 19 : i32
      %eq3A_1021 = vector.broadcast %eq3A_1020 : i32 to vector<32x64xi32>
      %eq3A_1022 = arith.cmpi eq, %add3A_885, %eq3A_1021 : vector<32x64xi32>
      %slice3A_1023 = vector.extract_strided_slice %dot_general3A_50 {offsets = [0, 19], sizes = [32, 1], strides = [1, 1]} : vector<32x32xf32> to vector<32x1xf32>
      %broadcast_in_dim3A_1024 = vector.shape_cast %slice3A_1023 : vector<32x1xf32> to vector<32x1xf32>
      %broadcast_in_dim3A_1025 = vector.broadcast %broadcast_in_dim3A_1024 : vector<32x1xf32> to vector<32x64xf32>
      %select_n3A_1026 = arith.select %eq3A_1022, %broadcast_in_dim3A_1025, %select_n3A_1019 : vector<32x64xi1>, vector<32x64xf32>
      %eq3A_1027 = arith.constant 20 : i32
      %eq3A_1028 = vector.broadcast %eq3A_1027 : i32 to vector<32x64xi32>
      %eq3A_1029 = arith.cmpi eq, %add3A_885, %eq3A_1028 : vector<32x64xi32>
      %slice3A_1030 = vector.extract_strided_slice %dot_general3A_50 {offsets = [0, 20], sizes = [32, 1], strides = [1, 1]} : vector<32x32xf32> to vector<32x1xf32>
      %broadcast_in_dim3A_1031 = vector.shape_cast %slice3A_1030 : vector<32x1xf32> to vector<32x1xf32>
      %broadcast_in_dim3A_1032 = vector.broadcast %broadcast_in_dim3A_1031 : vector<32x1xf32> to vector<32x64xf32>
      %select_n3A_1033 = arith.select %eq3A_1029, %broadcast_in_dim3A_1032, %select_n3A_1026 : vector<32x64xi1>, vector<32x64xf32>
      %eq3A_1034 = arith.constant 21 : i32
      %eq3A_1035 = vector.broadcast %eq3A_1034 : i32 to vector<32x64xi32>
      %eq3A_1036 = arith.cmpi eq, %add3A_885, %eq3A_1035 : vector<32x64xi32>
      %slice3A_1037 = vector.extract_strided_slice %dot_general3A_50 {offsets = [0, 21], sizes = [32, 1], strides = [1, 1]} : vector<32x32xf32> to vector<32x1xf32>
      %broadcast_in_dim3A_1038 = vector.shape_cast %slice3A_1037 : vector<32x1xf32> to vector<32x1xf32>
      %broadcast_in_dim3A_1039 = vector.broadcast %broadcast_in_dim3A_1038 : vector<32x1xf32> to vector<32x64xf32>
      %select_n3A_1040 = arith.select %eq3A_1036, %broadcast_in_dim3A_1039, %select_n3A_1033 : vector<32x64xi1>, vector<32x64xf32>
      %eq3A_1041 = arith.constant 22 : i32
      %eq3A_1042 = vector.broadcast %eq3A_1041 : i32 to vector<32x64xi32>
      %eq3A_1043 = arith.cmpi eq, %add3A_885, %eq3A_1042 : vector<32x64xi32>
      %slice3A_1044 = vector.extract_strided_slice %dot_general3A_50 {offsets = [0, 22], sizes = [32, 1], strides = [1, 1]} : vector<32x32xf32> to vector<32x1xf32>
      %broadcast_in_dim3A_1045 = vector.shape_cast %slice3A_1044 : vector<32x1xf32> to vector<32x1xf32>
      %broadcast_in_dim3A_1046 = vector.broadcast %broadcast_in_dim3A_1045 : vector<32x1xf32> to vector<32x64xf32>
      %select_n3A_1047 = arith.select %eq3A_1043, %broadcast_in_dim3A_1046, %select_n3A_1040 : vector<32x64xi1>, vector<32x64xf32>
      %eq3A_1048 = arith.constant 23 : i32
      %eq3A_1049 = vector.broadcast %eq3A_1048 : i32 to vector<32x64xi32>
      %eq3A_1050 = arith.cmpi eq, %add3A_885, %eq3A_1049 : vector<32x64xi32>
      %slice3A_1051 = vector.extract_strided_slice %dot_general3A_50 {offsets = [0, 23], sizes = [32, 1], strides = [1, 1]} : vector<32x32xf32> to vector<32x1xf32>
      %broadcast_in_dim3A_1052 = vector.shape_cast %slice3A_1051 : vector<32x1xf32> to vector<32x1xf32>
      %broadcast_in_dim3A_1053 = vector.broadcast %broadcast_in_dim3A_1052 : vector<32x1xf32> to vector<32x64xf32>
      %select_n3A_1054 = arith.select %eq3A_1050, %broadcast_in_dim3A_1053, %select_n3A_1047 : vector<32x64xi1>, vector<32x64xf32>
      %eq3A_1055 = arith.constant 24 : i32
      %eq3A_1056 = vector.broadcast %eq3A_1055 : i32 to vector<32x64xi32>
      %eq3A_1057 = arith.cmpi eq, %add3A_885, %eq3A_1056 : vector<32x64xi32>
      %slice3A_1058 = vector.extract_strided_slice %dot_general3A_50 {offsets = [0, 24], sizes = [32, 1], strides = [1, 1]} : vector<32x32xf32> to vector<32x1xf32>
      %broadcast_in_dim3A_1059 = vector.shape_cast %slice3A_1058 : vector<32x1xf32> to vector<32x1xf32>
      %broadcast_in_dim3A_1060 = vector.broadcast %broadcast_in_dim3A_1059 : vector<32x1xf32> to vector<32x64xf32>
      %select_n3A_1061 = arith.select %eq3A_1057, %broadcast_in_dim3A_1060, %select_n3A_1054 : vector<32x64xi1>, vector<32x64xf32>
      %eq3A_1062 = arith.constant 25 : i32
      %eq3A_1063 = vector.broadcast %eq3A_1062 : i32 to vector<32x64xi32>
      %eq3A_1064 = arith.cmpi eq, %add3A_885, %eq3A_1063 : vector<32x64xi32>
      %slice3A_1065 = vector.extract_strided_slice %dot_general3A_50 {offsets = [0, 25], sizes = [32, 1], strides = [1, 1]} : vector<32x32xf32> to vector<32x1xf32>
      %broadcast_in_dim3A_1066 = vector.shape_cast %slice3A_1065 : vector<32x1xf32> to vector<32x1xf32>
      %broadcast_in_dim3A_1067 = vector.broadcast %broadcast_in_dim3A_1066 : vector<32x1xf32> to vector<32x64xf32>
      %select_n3A_1068 = arith.select %eq3A_1064, %broadcast_in_dim3A_1067, %select_n3A_1061 : vector<32x64xi1>, vector<32x64xf32>
      %eq3A_1069 = arith.constant 26 : i32
      %eq3A_1070 = vector.broadcast %eq3A_1069 : i32 to vector<32x64xi32>
      %eq3A_1071 = arith.cmpi eq, %add3A_885, %eq3A_1070 : vector<32x64xi32>
      %slice3A_1072 = vector.extract_strided_slice %dot_general3A_50 {offsets = [0, 26], sizes = [32, 1], strides = [1, 1]} : vector<32x32xf32> to vector<32x1xf32>
      %broadcast_in_dim3A_1073 = vector.shape_cast %slice3A_1072 : vector<32x1xf32> to vector<32x1xf32>
      %broadcast_in_dim3A_1074 = vector.broadcast %broadcast_in_dim3A_1073 : vector<32x1xf32> to vector<32x64xf32>
      %select_n3A_1075 = arith.select %eq3A_1071, %broadcast_in_dim3A_1074, %select_n3A_1068 : vector<32x64xi1>, vector<32x64xf32>
      %eq3A_1076 = arith.constant 27 : i32
      %eq3A_1077 = vector.broadcast %eq3A_1076 : i32 to vector<32x64xi32>
      %eq3A_1078 = arith.cmpi eq, %add3A_885, %eq3A_1077 : vector<32x64xi32>
      %slice3A_1079 = vector.extract_strided_slice %dot_general3A_50 {offsets = [0, 27], sizes = [32, 1], strides = [1, 1]} : vector<32x32xf32> to vector<32x1xf32>
      %broadcast_in_dim3A_1080 = vector.shape_cast %slice3A_1079 : vector<32x1xf32> to vector<32x1xf32>
      %broadcast_in_dim3A_1081 = vector.broadcast %broadcast_in_dim3A_1080 : vector<32x1xf32> to vector<32x64xf32>
      %select_n3A_1082 = arith.select %eq3A_1078, %broadcast_in_dim3A_1081, %select_n3A_1075 : vector<32x64xi1>, vector<32x64xf32>
      %eq3A_1083 = arith.constant 28 : i32
      %eq3A_1084 = vector.broadcast %eq3A_1083 : i32 to vector<32x64xi32>
      %eq3A_1085 = arith.cmpi eq, %add3A_885, %eq3A_1084 : vector<32x64xi32>
      %slice3A_1086 = vector.extract_strided_slice %dot_general3A_50 {offsets = [0, 28], sizes = [32, 1], strides = [1, 1]} : vector<32x32xf32> to vector<32x1xf32>
      %broadcast_in_dim3A_1087 = vector.shape_cast %slice3A_1086 : vector<32x1xf32> to vector<32x1xf32>
      %broadcast_in_dim3A_1088 = vector.broadcast %broadcast_in_dim3A_1087 : vector<32x1xf32> to vector<32x64xf32>
      %select_n3A_1089 = arith.select %eq3A_1085, %broadcast_in_dim3A_1088, %select_n3A_1082 : vector<32x64xi1>, vector<32x64xf32>
      %eq3A_1090 = arith.constant 29 : i32
      %eq3A_1091 = vector.broadcast %eq3A_1090 : i32 to vector<32x64xi32>
      %eq3A_1092 = arith.cmpi eq, %add3A_885, %eq3A_1091 : vector<32x64xi32>
      %slice3A_1093 = vector.extract_strided_slice %dot_general3A_50 {offsets = [0, 29], sizes = [32, 1], strides = [1, 1]} : vector<32x32xf32> to vector<32x1xf32>
      %broadcast_in_dim3A_1094 = vector.shape_cast %slice3A_1093 : vector<32x1xf32> to vector<32x1xf32>
      %broadcast_in_dim3A_1095 = vector.broadcast %broadcast_in_dim3A_1094 : vector<32x1xf32> to vector<32x64xf32>
      %select_n3A_1096 = arith.select %eq3A_1092, %broadcast_in_dim3A_1095, %select_n3A_1089 : vector<32x64xi1>, vector<32x64xf32>
      %eq3A_1097 = arith.constant 30 : i32
      %eq3A_1098 = vector.broadcast %eq3A_1097 : i32 to vector<32x64xi32>
      %eq3A_1099 = arith.cmpi eq, %add3A_885, %eq3A_1098 : vector<32x64xi32>
      %slice3A_1100 = vector.extract_strided_slice %dot_general3A_50 {offsets = [0, 30], sizes = [32, 1], strides = [1, 1]} : vector<32x32xf32> to vector<32x1xf32>
      %broadcast_in_dim3A_1101 = vector.shape_cast %slice3A_1100 : vector<32x1xf32> to vector<32x1xf32>
      %broadcast_in_dim3A_1102 = vector.broadcast %broadcast_in_dim3A_1101 : vector<32x1xf32> to vector<32x64xf32>
      %select_n3A_1103 = arith.select %eq3A_1099, %broadcast_in_dim3A_1102, %select_n3A_1096 : vector<32x64xi1>, vector<32x64xf32>
      %eq3A_1104 = arith.constant 31 : i32
      %eq3A_1105 = vector.broadcast %eq3A_1104 : i32 to vector<32x64xi32>
      %eq3A_1106 = arith.cmpi eq, %add3A_885, %eq3A_1105 : vector<32x64xi32>
      %slice3A_1107 = vector.extract_strided_slice %dot_general3A_50 {offsets = [0, 31], sizes = [32, 1], strides = [1, 1]} : vector<32x32xf32> to vector<32x1xf32>
      %broadcast_in_dim3A_1108 = vector.shape_cast %slice3A_1107 : vector<32x1xf32> to vector<32x1xf32>
      %broadcast_in_dim3A_1109 = vector.broadcast %broadcast_in_dim3A_1108 : vector<32x1xf32> to vector<32x64xf32>
      %select_n3A_1110 = arith.select %eq3A_1106, %broadcast_in_dim3A_1109, %select_n3A_1103 : vector<32x64xi1>, vector<32x64xf32>
      %mul3A_1111 = arith.mulf %slice3A, %select_n3A_1110 : vector<32x64xf32>
      %dot_general3A_1112 = arith.constant dense<0.000000e+00> : vector<32x32xf32>
      %dot_general3A_1113 = tpu.matmul %get3A_1, %mul3A_1111, %dot_general3A_1112 {dimension_numbers = #tpu.dot_dimension_numbers<[1], [1], [0], [0], [0, 0, 1, 0], [], []>, transpose_lhs_hint = false} : vector<32x64xf32>, vector<32x64xf32>, vector<32x32xf32> -> vector<32x32xf32>
      %iota3A_1114 = tpu.iota {dimensions = array<i32: 0>} : vector<32x128xi32>
      %iota3A_1115 = tpu.iota {dimensions = array<i32: 1>} : vector<32x128xi32>
      %eq3A_1116 = arith.cmpi eq, %iota3A_1114, %iota3A_1115 : vector<32x128xi32>
      %convert_element_type3A_1117 = arith.extui %eq3A_1116 : vector<32x128xi1> to vector<32x128xi32>
      %convert_element_type3A_1118 = arith.sitofp %convert_element_type3A_1117 : vector<32x128xi32> to vector<32x128xf32>
      %dot_general3A_1119 = arith.constant dense<0.000000e+00> : vector<32x128xf32>
      %dot_general3A_1120 = tpu.matmul %dot_general3A_1113, %convert_element_type3A_1118, %dot_general3A_1119 {dimension_numbers = #tpu.dot_dimension_numbers<[1], [0], [0], [1], [0, 0, 1, 1], [], []>, transpose_lhs_hint = false} : vector<32x32xf32>, vector<32x128xf32>, vector<32x128xf32> -> vector<32x128xf32>
      %iota3A_1121 = tpu.iota {dimensions = array<i32: 1>} : vector<32x128xi32>
      %lt3A_1122 = arith.constant 32 : i32
      %lt3A_1123 = vector.broadcast %lt3A_1122 : i32 to vector<32x128xi32>
      %lt3A_1124 = arith.cmpi slt, %iota3A_1121, %lt3A_1123 : vector<32x128xi32>
      %slice3A_1125 = vector.extract_strided_slice %add3A_9 {offsets = [0, 0], sizes = [32, 128], strides = [1, 1]} : vector<32x16384xf32> to vector<32x128xf32>
      %select_n3A_1126 = arith.select %lt3A_1124, %dot_general3A_1120, %slice3A_1125 : vector<32x128xi1>, vector<32x128xf32>
      %swap3A_1127 = arith.constant 0 : index
      %swap3A_1128 = arith.constant 0 : index
      %swap3A_1129 = vector.load %arg7[%swap3A_1127, %swap3A_1128] : memref<32x16384xf32, #tpu.memory_space<vmem>>, vector<32x128xf32>
      tpu.vector_store %arg7[%swap3A_1127, %swap3A_1128], %select_n3A_1126 {strides = array<i32>} : memref<32x16384xf32, #tpu.memory_space<vmem>>, vector<32x128xf32>,
    } else {
    }
    return
  }
  func.func @transform_0(%arg0: i32) -> (i32, i32) {
    %c0_i32 = arith.constant 0 : i32
    %c0_i32_0 = arith.constant 0 : i32
    %c0_i32_1 = arith.constant 0 : i32
    return %c0_i32, %c0_i32_0 : i32, i32
  }
  func.func @transform_1(%arg0: i32) -> (i32, i32) {
    %add3A = arith.constant 1 : i32
    %add3A_0 = arith.addi %arg0, %add3A : i32
    %jit3A = arith.constant 7 : i32
    %eq3A = arith.constant 0 : i32
    %eq3A_1 = arith.cmpi eq, %jit3A, %eq3A : i32
    %jit3A_2 = arith.constant 1 : i32
    %select_n3A = arith.select %eq3A_1, %jit3A_2, %jit3A : i32
    %rem3A = arith.remsi %add3A_0, %select_n3A : i32
    %ne3A = arith.constant 0 : i32
    %ne3A_3 = arith.cmpi ne, %rem3A, %ne3A : i32
    %lt3A = arith.constant 0 : i32
    %lt3A_4 = arith.cmpi slt, %rem3A, %lt3A : i32
    %lt3A_5 = arith.constant 0 : i32
    %lt3A_6 = arith.cmpi slt, %select_n3A, %lt3A_5 : i32
    %ne3A_7 = arith.xori %lt3A_4, %lt3A_6 : i1
    %and3A = arith.andi %ne3A_7, %ne3A_3 : i1
    %add3A_8 = arith.addi %rem3A, %select_n3A : i32
    %select_n3A_9 = arith.select %and3A, %add3A_8, %rem3A : i32
    %c0_i32 = arith.constant 0 : i32
    %c0_i32_10 = arith.constant 0 : i32
    return %select_n3A_9, %c0_i32 : i32, i32
  }
  func.func @transform_2(%arg0: i32) -> (i32, i32) {
    %add3A = arith.constant 1 : i32
    %add3A_0 = arith.addi %arg0, %add3A : i32
    %jit3A = arith.constant 7 : i32
    %eq3A = arith.constant 0 : i32
    %eq3A_1 = arith.cmpi eq, %jit3A, %eq3A : i32
    %jit3A_2 = arith.constant 1 : i32
    %select_n3A = arith.select %eq3A_1, %jit3A_2, %jit3A : i32
    %rem3A = arith.remsi %add3A_0, %select_n3A : i32
    %ne3A = arith.constant 0 : i32
    %ne3A_3 = arith.cmpi ne, %rem3A, %ne3A : i32
    %lt3A = arith.constant 0 : i32
    %lt3A_4 = arith.cmpi slt, %rem3A, %lt3A : i32
    %lt3A_5 = arith.constant 0 : i32
    %lt3A_6 = arith.cmpi slt, %select_n3A, %lt3A_5 : i32
    %ne3A_7 = arith.xori %lt3A_4, %lt3A_6 : i1
    %and3A = arith.andi %ne3A_7, %ne3A_3 : i1
    %add3A_8 = arith.addi %rem3A, %select_n3A : i32
    %select_n3A_9 = arith.select %and3A, %add3A_8, %rem3A : i32
    %c0_i32 = arith.constant 0 : i32
    %c0_i32_10 = arith.constant 0 : i32
    return %c0_i32, %select_n3A_9 : i32, i32
  }
  func.func @transform_3(%arg0: i32) -> (i32, i32) {
    %c0_i32 = arith.constant 0 : i32
    %c0_i32_0 = arith.constant 0 : i32
    %c0_i32_1 = arith.constant 0 : i32
    return %c0_i32, %c0_i32_0 : i32, i32
  }
  func.func @transform_4(%arg0: i32) -> (i32, i32) {
    %c0_i32 = arith.constant 0 : i32
    %c0_i32_0 = arith.constant 0 : i32
    %c0_i32_1 = arith.constant 0 : i32
    return %c0_i32, %c0_i32_0 : i32, i32
  }
  func.func @transform_5(%arg0: i32) -> (i32, i32) {
    %c0_i32 = arith.constant 0 : i32
    %c0_i32_0 = arith.constant 0 : i32
    %c0_i32_1 = arith.constant 0 : i32
    return %c0_i32, %c0_i32_0 : i32, i32
  }
  func.func @transform_6(%arg0: i32) -> (i32, i32) {
    %add3A = arith.constant 1 : i32
    %add3A_0 = arith.addi %arg0, %add3A : i32
    %jit3A = arith.constant 7 : i32
    %eq3A = arith.constant 0 : i32
    %eq3A_1 = arith.cmpi eq, %jit3A, %eq3A : i32
    %jit3A_2 = arith.constant 1 : i32
    %select_n3A = arith.select %eq3A_1, %jit3A_2, %jit3A : i32
    %rem3A = arith.remsi %add3A_0, %select_n3A : i32
    %ne3A = arith.constant 0 : i32
    %ne3A_3 = arith.cmpi ne, %rem3A, %ne3A : i32
    %lt3A = arith.constant 0 : i32
    %lt3A_4 = arith.cmpi slt, %rem3A, %lt3A : i32
    %lt3A_5 = arith.constant 0 : i32
    %lt3A_6 = arith.cmpi slt, %select_n3A, %lt3A_5 : i32
    %ne3A_7 = arith.xori %lt3A_4, %lt3A_6 : i1
    %and3A = arith.andi %ne3A_7, %ne3A_3 : i1
    %add3A_8 = arith.addi %rem3A, %select_n3A : i32
    %select_n3A_9 = arith.select %and3A, %add3A_8, %rem3A : i32
    %c0_i32 = arith.constant 0 : i32
    %c0_i32_10 = arith.constant 0 : i32
    return %c0_i32, %select_n3A_9 : i32, i32
  }
}

</mosaic_0001>

<sc_bundles>
// kernel: kernel.4.cloned.1.call-start
scs
__scs_entry_jumppad:
0x0: {  	(pc) =	sbr.rel $0x88, $3  }
0x1: {  	(tag) =	ssettag $0x0;
	lr =	simm.s32 $0x1  }
0x2: {  	[smem:$0x3F9D] =	sst lr;
	_ =	strace $0xD0000000  }
0x3: {  	_ = 	snop  }
0x4: {  	_ = 	snop  }
0x5: {  	_ = 	snop  }
0x6: {  	_ = 	snop  }
0x7: {  	_ = 	snop  }
__scs_overlays_trampoline_lowered:
0x8: {  	[smem:$0x3FAC] =	sst s0  }
0x9: {  	[smem:$0x3FAD] =	sst s1  }
0xa: {  	[smem:$0x3FAE] =	sst s2  }
0xb: {  	[smem:$0x3FAF] =	sst s3  }
0xc: {  	[smem:$0x3FB0] =	sst s4  }
0xd: {  	[smem:$0x3FB1] =	sst s5  }
0xe: {  	[smem:$0x3FB2] =	sst s6  }
0xf: {  	[smem:$0x3FB3] =	sst s7  }
0x10: {  	[smem:$0x3FB4] =	sst s8  }
0x11: {  	[smem:$0x3FB5] =	sst s9;
	s0 =	simm.s32 @!p0 $0x0  }
0x12: {  	s1 =	sld [smem:$0x3F9B];
	s0 =	simm.s32 @p0 $0x1  }
0x13: {  	[smem:$0x3FB6] =	sst s0;
	s0 =	simm.s32 @!p1 $0x0  }
0x14: {  	s2 =	sld [smem:$0x3F9A];
	s0 =	simm.s32 @p1 $0x1  }
0x15: {  	[smem:$0x3FB7] =	sst s0;
	s0 =	simm.s32 @!p2 $0x0  }
0x16: {  	s3 =	sld [smem:$0x3FDB];
	s0 =	simm.s32 @p2 $0x1  }
0x17: {  	s4 =	simm.s32 $0x1BF5;
	[smem:$0x3FB9] =	sst s0  }
0x18: {  	s0 =	sld [smem:$0x3F9C];
	_ =	swait.ge [sflag:s4], $0x0  }
0x19: {  	s7 =	sld [smem:$0x3F9D]  }
0x1a: {  	s8 =	sadd.s32 $0xFFFFE003, lr  }
0x1b: {  	s9 =	sadd.s32 $0xFFFFFEF7, lr;
	s5 =	simm.s32 $0xFFFFFFFF;
	p2 =	slt.u32 s8, $0xFFFFF086  }
0x1c: {  	p1 =	slt.u32 s9, $0xF7A;
	s5 =	simm.s32 @!p2 $0x0  }
0x1d: {  	s5 =	simm.s32 @p1 $0x1;
	p0 =	seq.s32 s7, s2  }
0x1e: {  	s7 =	smul.u32 @!p0 $0xF7A, s2;
	p2 =	seq.s32 @!p0 s5, $0x0  }
0x1f: {  	s9 =	smul.u32 $0xF7A, s1;
	s8 =	simm.s32 @!p0 $0x1BF5;
	p2 =	por !p2, p0  }
0x20: {  	[sflag:s8] =	ssyncset.s32 @!p0 $0xFFFFF086;
	s6 =	sadd.s32 @!p0 s3, s7;
	s7 =	simm.s32 @!p0 $0x108  }
0x21: {  	s3 =	sadd.s32 s3, s9;
	s6 =	sadd.s32 @!p0 $0x88, s6;
	s7 =	simm.s32 @p2 $0x1082  }
0x22: {  	[simem:s7], [sflag:s8] =	dma.local @!p0 [hbm:s6], $0xF7A  }
0x23: {  	s9 =	sor.u32 $0xD0000000, s2;
	s6 =	simm.s32 $0x108;
	_ =	swait.ge @!p0 [sflag:s8], $0x0  }
0x24: {  	s3 =	sadd.s32 $0x88, s3;
	s6 =	simm.s32 @!p1 $0x1082;
	[sflag:s4] =	ssyncset.s32 $0xFFFFF086  }
0x25: {  	[simem:s6], [sflag:s4] =	dma.local [hbm:s3], $0xF7A  }
0x26: {  	[smem:$0x3F9D] =	sst s1;
	(tag) =	ssettag s2;
	_ =	strace s9  }
0x27: {  	s1 =	sld [smem:$0x3FAD]  }
0x28: {  	s2 =	sld [smem:$0x3FAE]  }
0x29: {  	s4 =	sld [smem:$0x3FB0]  }
0x2a: {  	p0 =	seq.s32 s5, $0x0;
	s5 =	sld [smem:$0x3FB1]  }
0x2b: {  	s6 =	sld [smem:$0x3FB2]  }
0x2c: {  	s7 =	sld [smem:$0x3FB3]  }
0x2d: {  	s3 =	simm.s32 $0x108;
	s8 =	sld [smem:$0x3FB4]  }
0x2e: {  	s3 =	simm.s32 @!p0 $0x1082;
	s9 =	sld [smem:$0x3FB5]  }
0x2f: {  	lr =	sadd.s32 s0, s3;
	s0 =	sld [smem:$0x3FAC]  }
0x30: {  	s3 =	sld [smem:$0x3FAF]  }
0x31: {  	[smem:$0x3FB8] =	sst s10  }
0x32: {  	s10 =	sld [smem:$0x3FB6];
	_ =	sdelay $0x3  }
0x33: {  	p0 =	seq.s32 s10, $0x1;
	s10 =	sld [smem:$0x3FB8];
	_ =	sdelay $0x3  }
0x34: {  	[smem:$0x3FB8] =	sst s10  }
0x35: {  	s10 =	sld [smem:$0x3FB7];
	_ =	sdelay $0x3  }
0x36: {  	p1 =	seq.s32 s10, $0x1;
	s10 =	sld [smem:$0x3FB8];
	_ =	sdelay $0x3  }
0x37: {  	[smem:$0x3FB8] =	sst s10  }
0x38: {  	s10 =	sld [smem:$0x3FB9]  }
0x39: {  	_ = 	snop;
	(pc) =	sbr.ind lr, $3  }
0x3a: {  	_ = 	snop  }
0x3b: {  	_ = 	snop  }
0x3c: {  	p2 =	seq.s32 s10, $0x1;
	s10 =	sld [smem:$0x3FB8]  }
0x3d: {  	_ =	shalt  }
0x3e: {  	_ =	shalt  }
0x3f: {  	_ =	shalt  }
0x40: {  	_ =	shalt  }
0x41: {  	_ =	shalt  }
0x42: {  	_ =	shalt  }
0x43: {  	_ =	shalt  }
0x44: {  	_ =	shalt  }
0x45: {  	_ =	shalt  }
0x46: {  	_ =	shalt  }
0x47: {  	_ =	shalt  }
0x48: {  	_ =	shalt  }
0x49: {  	_ =	shalt  }
0x4a: {  	_ =	shalt  }
0x4b: {  	_ =	shalt  }
0x4c: {  	_ =	shalt  }
0x4d: {  	_ =	shalt  }
0x4e: {  	_ =	shalt  }
0x4f: {  	_ =	shalt  }
0x50: {  	_ =	shalt  }
0x51: {  	_ =	shalt  }
0x52: {  	_ =	shalt  }
0x53: {  	_ =	shalt  }
0x54: {  	_ =	shalt  }
0x55: {  	_ =	shalt  }
0x56: {  	_ =	shalt  }
0x57: {  	_ =	shalt  }
0x58: {  	_ =	shalt  }
0x59: {  	_ =	shalt  }
0x5a: {  	_ =	shalt  }
0x5b: {  	_ =	shalt  }
0x5c: {  	_ =	shalt  }
0x5d: {  	_ =	shalt  }
0x5e: {  	_ =	shalt  }
0x5f: {  	_ =	shalt  }
0x60: {  	_ =	shalt  }
0x61: {  	_ =	shalt  }
0x62: {  	_ =	shalt  }
0x63: {  	_ =	shalt  }
0x64: {  	_ =	shalt  }
0x65: {  	_ =	shalt  }
0x66: {  	_ =	shalt  }
0x67: {  	_ =	shalt  }
0x68: {  	_ =	shalt  }
0x69: {  	_ =	shalt  }
0x6a: {  	_ =	shalt  }
0x6b: {  	_ =	shalt  }
0x6c: {  	_ =	shalt  }
0x6d: {  	_ =	shalt  }
0x6e: {  	_ =	shalt  }
0x6f: {  	_ =	shalt  }
0x70: {  	_ =	shalt  }
0x71: {  	_ =	shalt  }
0x72: {  	_ =	shalt  }
0x73: {  	_ =	shalt  }
0x74: {  	_ =	shalt  }
0x75: {  	_ =	shalt  }
0x76: {  	_ =	shalt  }
0x77: {  	_ =	shalt  }
0x78: {  	_ =	shalt  }
0x79: {  	_ =	shalt  }
0x7a: {  	_ =	shalt  }
0x7b: {  	_ =	shalt  }
0x7c: {  	_ =	shalt  }
0x7d: {  	_ =	shalt  }
0x7e: {  	_ =	shalt  }
0x7f: {  	_ =	shalt  }
0x80: {  	_ =	shalt  }
0x81: {  	_ =	shalt  }
0x82: {  	_ =	shalt  }
0x83: {  	_ =	shalt  }
0x84: {  	_ =	shalt  }
0x85: {  	_ =	shalt  }
0x86: {  	_ =	shalt  }
0x87: {  	_ =	shalt  }
.Lfunc_end0:
.L_simem_size_0:
called_computation_lowered:
.L_overlay_start_0:
0x88: {  	s2 =	sld [smem:$0x3FD9]  }
0x89: {  	s3 =	sld [smem:$0x3FFE];
	_ =	sdelay $0x1  }
0x8a: {  	s1 =	srdreg.scid  }
0x8b: {  	s0 =	sand.u32 $0x1, s1  }
0x8c: {  	s18 =	sshll.u32 s0, $0xA;
	s2 =	sadd.s32 s3, s2  }
0x8d: {  	s2 =	sadd.s32 s2, s18  }
0x8e: {  	[smem:$0x3FC4] =	sst s2  }
0x8f: {  	_ = 	snop  }
0x90: {  	s2 =	sld [smem:$0x3FC8]  }
0x91: {  	s19 =	sld [smem:$0x3FD0];
	(tm) =	ssettm $0x1  }
0x92: {  	s4 =	sld [smem:$0x3FFB];
	_ =	sdelay $0x3  }
0x93: {  	_ =	strace s4  }
0x94: {  	s4 =	sld [smem:$0x3FFC];
	_ =	sdelay $0x3  }
0x95: {  	_ =	strace s4  }
0x96: {  	s4 =	sld [smem:$0x3FFD];
	_ =	sdelay $0x3  }
0x97: {  	_ =	strace s4  }
0x98: {  	_ =	strace $0x8FFFFFFF  }
0x99: {  	s20 =	sld [smem:$0x3FDB];
	_ =	sdelay $0x1  }
0x9a: {  	s5 =	simm.s32 $_scs_section_size  }
0x9b: {  	s6 =	simm.s32 $_size__tile_overlayer_lowered;
	s7 =	simm.s32 $_tile_overlayer_lowered  }
0x9c: {  	s23 =	simm.s32 $0x1BFF;
	s22 =	sshll.u32 s7, $0x1;
	s4 =	sadd.s32 s5, s20  }
0x9d: {  	s8 =	simm.s32 $0x0;
	s21 =	sshll.u32 s6, $0x1;
	s6 =	sadd.s32 s22, s4  }
0x9e: {  	[timem:s8], [sflag:s23] =	dma.local [hbm:s6], s21  }
0x9f: {  	_ =	swait.ge [sflag:s23], s21  }
0xa0: {  	s5 =	ssub.s32 $0x0, s21;
	[sflag:s23] =	ssyncset.done $0x0  }
0xa1: {  	[sflag:s23] =	ssyncadd.s32 s5;
	_ =	sdelay $0x1  }
0xa2: {  	s24 =	simm.s32 $0x1B8B  }
0xa3: {  	_ =	swait.ge [sflag:s24], $0x1  }
0xa4: {  	[sflag:s24] =	ssyncset.done $0x0  }
0xa5: {  	s25 =	simm.s32 $0x1B8E;
	[sflag:s24] =	ssyncadd.s32 $0xFFFFFFFF  }
0xa6: {  	s26 =	simm.s32 $execute0_lowered;
	[smem:$0x3FD2] =	sst s25  }
0xa7: {  	s5 =	sshll.u32 s26, $0x1;
	_ =	strace $0x80000046;
	[dreg:$0x1] =	wrdreg $0xFFFFFFFF  }
0xa8: {  	s28 =	simm.s32 $_size_execute0_lowered;
	s4 =	sadd.s32 s4, s5;
	[dreg:$0x0] =	wrdreg $0x0  }
0xa9: {  	s5 =	sshll.u32 s28, $0x1;
	[dreg:$0x2] =	wrdreg s4  }
0xaa: {  	[dreg:$0x3] =	wrdreg s5  }
0xab: {  	[dreg:$0x4] =	wrdreg $0xC0  }
0xac: {  	_ =	task [dreg:s8], $0x5FFFF  }
0xad: {  	[dreg:$0x1] =	wrdreg $0xFFFFFFFF  }
0xae: {  	[dreg:$0x0] =	wrdreg $0x60  }
0xaf: {  	[dreg:$0x2] =	wrdreg s2  }
0xb0: {  	[dreg:$0x3] =	wrdreg s19  }
0xb1: {  	[dreg:$0x4] =	wrdreg $0x9  }
0xb2: {  	_ =	task.clear_ibuf [dreg:s8], $0x5FFFF;
	_ =	strace $0x90000046  }
0xb3: {  	s29 =	simm.s32 $0x9;
	_ =	strace $0x80000048  }
0xb4: {  	_ =	swait.ge [sflag:s29], $0x1  }
0xb5: {  	[sflag:s29] =	ssyncadd.s32 $0xFFFFFFFF  }
0xb6: {  	_ =	strace $0x90000048  }
0xb7: {  	_ =	sfence  }
0xb8: {  	s30 =	sld [smem:$0x0];
	_ =	sdelay $0x2  }
0xb9: {  	s31 =	sshll.u32 s1, $0xD;
	s1 =	sshrl.u32 s1, $0x2  }
0xba: {  	s3 =	sand.u32 $0x4000, s31;
	s1 =	sadd.s32 s1, s30  }
0xbb: {  	s0 =	sor.u32 s3, s0;
	s1 =	sshll.u32 s1, $0x11  }
0xbc: {  	s0 =	sor.u32 s1, s0  }
0xbd: {  	s0 =	sadd.s32 $0x8F2B, s0  }
0xbe: {  	[sflag:s0] =	ssyncadd.remote.s32 $0x1  }
0xbf: {  	_ =	sfence.sel $0xFFFF  }
0xc0: {  	[dreg:$0x0] =	wrdreg $0xFFFFFFFF;
	(pc) =	sbr.abs _section_cstart, $3  }
0xc1: {  	[dreg:$0x1] =	wrdreg $0xFFFFFFFF  }
0xc2: {  	_ =	task.clear_ibuf [dreg:s8], $0x2FFFF;
	_ =	strace $0x9FFFFFFF  }
0xc3: {  	(tm) =	ssettm $0x7FFFFFFF  }
tec
execute0_lowered:
.L_overlay_start_1:
0x0: {  	(tag) =	ssettag $0x1  }
0x1: {  	s3 =	rddreg [dreg:$0x0]  }
0x2: {  	s4 =	rddreg [dreg:$0x1]  }
0x3: {  	s0 =	rddreg [dreg:$0x2];
	s2 =	simm.s32 $0x0  }
0x4: {  	s5 =	srdreg.scid;
	s1 =	stileid.u32;
	s10 =	simm.s32 $0x0  }
0x5: {  	[smem:$0x7FF] =	sst s2;
	s5 =	sand.u32 $0x1, s5;
	s7 =	sshll.u32 s1, $0x8  }
0x6: {  	s6 =	sshrl.u32 s1, $0x2;
	s8 =	sshll.u32 s5, $0x7;
	s7 =	sand.u32 $0x300, s7  }
0x7: {  	s9 =	smul.u32 $0xC3800, s6;
	_ =	strace $0x80000047;
	s5 =	ssub.s32 $0x2, s5  }
0x8: {  	s6 =	sshll.u32 s6, $0xA;
	s7 =	sor.u32 s8, s7;
	s31 =	sshrl.u32 s5, $0x1  }
0x9: {  	s8 =	sor.u32 s9, s7;
	s6 =	sor.u32 s6, s7;
	s5 =	ssub.s32 s5, s31  }
0xa: {  	s7 =	simm.s32 $0x400;
	s9 =	simm.s32 $0x18700;
	s8 =	sshrl.u32 s8, $0x3  }
0xb: {  	s6 =	sshrl.u32 s6, $0x3;
	s5 =	smax.u32 s5, $0x1;
	s3 =	sadd.s32 s3, s8  }
0xc: {  	s4 =	sadd.s32 s4, s6;
	s6 =	simm.s32 $0x80;
	s8 =	simm.s32 $0x1  }
.LBB2_1:
0xd: {  	[tilespmem:s2], [sflag:$0x1] =	stream.strided.gather [hbm4b:s3+s6], $0x18700, s7, s6, $0x38;
	[tilespmem:$0x18780] =	vst v63  }
0xe: {  	_ =	swait.ge [sflag:s8], $0x18700  }
0xf: {  	[sflag:s8] =	ssyncset.done $0x0  }
0x10: {  	s11 =	sand.u32 $0x3FFE0, s2;
	[sflag:s8] =	ssyncadd.s32 $0xFFFE7900  }
0x11: {  	s12 =	simm.s32 $0x50;
	v0 =	vld [tilespmem:s11+$0x80]  }
0x12: {  	v1 =	vld [tilespmem:s12+$0x40]  }
0x13: {  	v2 =	vld [tilespmem:s12+$0xFFFFFFC0]  }
0x14: {  	v3 =	vld [tilespmem:s12+$0xFFFFFFD0]  }
0x15: {  	v4 =	vld [tilespmem:s12+$0xFFFFFFE0]  }
0x16: {  	v5 =	vld [tilespmem:s12+$0xFFFFFFF0]  }
0x17: {  	v6 =	vld [tilespmem:s12+$0x0];
	v0 =	vmul.f32 $1.442695020e+00, v0  }
0x18: {  	v7 =	vld [tilespmem:s12+$0x10];
	v1 =	vmul.f32 $1.442695020e+00, v1;
	v2 =	vmul.f32 $1.442695020e+00, v2  }
0x19: {  	s29 =	simm.s32 $0xA0;
	(erf) = vpow2.f32 v0;
	v0 =	vmul.f32 $1.442695020e+00, v3;
	v3 =	vld [tilespmem:s12+$0x20]  }
0x1a: {  	s11 =	sand.u32 $0x3FFE0, s29;
	v4 =	vmul.f32 $1.442695020e+00, v4;
	(erf) = vpow2.f32 v1;
	v1 =	vld [tilespmem:s12+$0xFFFFFFB0]  }
0x1b: {  	s30 =	simm.s32 $0xF0;
	v5 =	vmul.f32 $1.442695020e+00, v5;
	(erf) = vpow2.f32 v2;
	v2 =	vld [tilespmem:s11+$0x80]  }
0x1c: {  	v6 =	vmul.f32 $1.442695020e+00, v6;
	(erf) = vpow2.f32 v0;
	v0 =	vld [tilespmem:s30+$0x40]  }
0x1d: {  	v8 =	vld [tilespmem:s30+$0xFFFFFFF0];
	v7 =	vmul.f32 $1.442695020e+00, v7;
	(erf) = vpow2.f32 v4  }
0x1e: {  	v4 =	vld [tilespmem:s30+$0xFFFFFFC0];
	(erf) = vpow2.f32 v5;
	v3 =	vmul.f32 $1.442695020e+00, v3  }
0x1f: {  	v5 =	vld [tilespmem:s30+$0xFFFFFFD0];
	(erf) = vpow2.f32 v6;
	v1 =	vmul.f32 $1.442695020e+00, v1  }
0x20: {  	v6 =	vld [tilespmem:s30+$0xFFFFFFE0];
	(erf) = vpow2.f32 v7;
	v7 =	vmul.f32 $1.442695020e+00, v2  }
0x21: {  	v9 =	vimm.f32 $0.0e+00;
	(erf) = vpow2.f32 v3;
	v3 =	vmul.f32 $1.442695020e+00, v0  }
0x22: {  	v17 =	vmul.f32 $1.442695020e+00, v8;
	v2 =	vimm.f32 $0.0e+00;
	(erf) = vpow2.f32 v1;
	v0 =	vpop (erf)  }
0x23: {  	v11 =	vld [tilespmem:s30+$0x0];
	v4 =	vmul.f32 $1.442695020e+00, v4;
	(erf) = vpow2.f32 v7;
	v0 =	vadd.f32 v0, v2;
	v1 =	vpop (erf)  }
0x24: {  	v12 =	vld [tilespmem:s30+$0x10];
	v5 =	vmul.f32 $1.442695020e+00, v5;
	(erf) = vpow2.f32 v3;
	v1 =	vadd.f32 v1, v2  }
0x25: {  	s31 =	simm.s32 $0x140;
	v13 =	vld [tilespmem:s30+$0x20];
	v16 =	vmul.f32 $1.442695020e+00, v6;
	v6 =	vimm.f32 $0.0e+00;
	v3 =	vpop (erf);
	(erf) = vpow2.f32 v4  }
0x26: {  	v14 =	vld [tilespmem:s30+$0xFFFFFFB0];
	s12 =	sand.u32 $0x3FFE0, s31;
	v4 =	vimm.f32 $0.0e+00;
	v7 =	vadd.f32 v3, v2;
	v3 =	vpop (erf);
	(erf) = vpow2.f32 v5  }
0x27: {  	v15 =	vld [tilespmem:s12+$0x80];
	s12 =	simm.s32 $0x1E0;
	s11 =	simm.s32 $0x190;
	v5 =	vimm.f32 $0.0e+00;
	v8 =	vadd.f32 v3, v2;
	v10 =	vpop (erf);
	v3 =	vimm.f32 $0.0e+00  }
.LBB2_2:
0x28: {  	p0 =	sne.s32 s12, $0x18600;
	v18 =	vld [tilespmem:s11+$0x40];
	v11 =	vmul.f32 $1.442695020e+00, v11;
	(erf) = vpow2.f32 v16;
	v2 =	vadd.f32 v10, v2;
	v10 =	vpop (erf)  }
0x29: {  	v16 =	vld [tilespmem:s11+$0xFFFFFFC0];
	v12 =	vmul.f32 $1.442695020e+00, v12;
	(erf) = vpow2.f32 v17;
	v6 =	vadd.f32 v10, v6;
	v10 =	vpop (erf)  }
0x2a: {  	v17 =	vld [tilespmem:s11+$0xFFFFFFD0];
	v21 =	vmul.f32 $1.442695020e+00, v13;
	(erf) = vpow2.f32 v11;
	v4 =	vadd.f32 v10, v4;
	v10 =	vpop (erf)  }
0x2b: {  	v19 =	vld [tilespmem:s11+$0xFFFFFFE0];
	v22 =	vmul.f32 $1.442695020e+00, v14;
	(erf) = vpow2.f32 v12;
	v5 =	vadd.f32 v10, v5;
	v10 =	vpop (erf)  }
0x2c: {  	v20 =	vld [tilespmem:s11+$0xFFFFFFF0];
	v23 =	vmul.f32 $1.442695020e+00, v15;
	(erf) = vpow2.f32 v21;
	v3 =	vadd.f32 v10, v3;
	v10 =	vpop (erf)  }
.Ltmp0:
0x2d: {  	v11 =	vld [tilespmem:s11+$0x0];
	v18 =	vmul.f32 $1.442695020e+00, v18;
	(erf) = vpow2.f32 v22;
	v13 =	vpop (erf);
	v9 =	vadd.f32 v10, v9;
	(pc) =	sbr.rel @p0 .LBB2_2-.Ltmp0, $4  }
0x2e: {  	v22 =	vmul.f32 $1.442695020e+00, v16;
	v12 =	vld [tilespmem:s11+$0x10];
	(erf) = vpow2.f32 v23;
	v0 =	vadd.f32 v13, v0;
	v14 =	vpop (erf)  }
0x2f: {  	v21 =	vmul.f32 $1.442695020e+00, v17;
	v13 =	vld [tilespmem:s11+$0x20];
	(erf) = vpow2.f32 v18;
	v1 =	vadd.f32 v14, v1;
	v15 =	vpop (erf)  }
0x30: {  	s13 =	sand.u32 $0x3FFE0, s12;
	v14 =	vld [tilespmem:s11+$0xFFFFFFB0];
	v16 =	vmul.f32 $1.442695020e+00, v19;
	(erf) = vpow2.f32 v22;
	v7 =	vadd.f32 v15, v7;
	v10 =	vpop (erf)  }
0x31: {  	s12 =	sadd.s32 $0xA0, s12;
	s11 =	sadd.s32 $0xA0, s11;
	v15 =	vld [tilespmem:s13+$0x80];
	v17 =	vmul.f32 $1.442695020e+00, v20;
	(erf) = vpow2.f32 v21;
	v8 =	vadd.f32 v10, v8;
	v10 =	vpop (erf)  }
0x32: {  	v18 =	vld [tilespmem:s11+$0x40];
	v11 =	vmul.f32 $1.442695020e+00, v11;
	(erf) = vpow2.f32 v16;
	v45 =	vpop (erf)  }
0x33: {  	v19 =	vld [tilespmem:s11+$0xFFFFFFC0];
	v12 =	vmul.f32 $1.442695020e+00, v12;
	(erf) = vpow2.f32 v17;
	v46 =	vpop (erf)  }
0x34: {  	v20 =	vld [tilespmem:s11+$0xFFFFFFD0];
	v13 =	vmul.f32 $1.442695020e+00, v13;
	(erf) = vpow2.f32 v11;
	v47 =	vpop (erf)  }
0x35: {  	v21 =	vld [tilespmem:s11+$0xFFFFFFE0];
	v14 =	vmul.f32 $1.442695020e+00, v14;
	(erf) = vpow2.f32 v12;
	v48 =	vpop (erf)  }
0x36: {  	v22 =	vld [tilespmem:s11+$0xFFFFFFF0];
	v15 =	vmul.f32 $1.442695020e+00, v15;
	(erf) = vpow2.f32 v13;
	v49 =	vpop (erf)  }
0x37: {  	v23 =	vld [tilespmem:s11+$0x0];
	v18 =	vmul.f32 $1.442695020e+00, v18;
	(erf) = vpow2.f32 v14;
	v50 =	vpop (erf)  }
0x38: {  	v24 =	vld [tilespmem:s11+$0x10];
	v19 =	vmul.f32 $1.442695020e+00, v19;
	(erf) = vpow2.f32 v15;
	v51 =	vpop (erf)  }
0x39: {  	v25 =	vld [tilespmem:s11+$0x20];
	v20 =	vmul.f32 $1.442695020e+00, v20;
	(erf) = vpow2.f32 v18;
	v52 =	vpop (erf)  }
0x3a: {  	v26 =	vld [tilespmem:s11+$0xFFFFFFB0];
	v21 =	vmul.f32 $1.442695020e+00, v21;
	(erf) = vpow2.f32 v19;
	v53 =	vpop (erf)  }
0x3b: {  	v22 =	vmul.f32 $1.442695020e+00, v22;
	(erf) = vpow2.f32 v20;
	v54 =	vpop (erf)  }
0x3c: {  	v23 =	vmul.f32 $1.442695020e+00, v23;
	(erf) = vpow2.f32 v21;
	v55 =	vpop (erf)  }
0x3d: {  	v24 =	vmul.f32 $1.442695020e+00, v24;
	(erf) = vpow2.f32 v22;
	v56 =	vpop (erf)  }
0x3e: {  	v25 =	vmul.f32 $1.442695020e+00, v25;
	(erf) = vpow2.f32 v23;
	v57 =	vpop (erf)  }
0x3f: {  	v26 =	vmul.f32 $1.442695020e+00, v26;
	(erf) = vpow2.f32 v24;
	v58 =	vpop (erf)  }
0x40: {  	(erf) = vpow2.f32 v25;
	v59 =	vpop (erf)  }
0x41: {  	(erf) = vpow2.f32 v26;
	v60 =	vpop (erf)  }
0x42: {  	v27 =	vpop (erf)  }
0x43: {  	v28 =	vpop (erf)  }
0x44: {  	v29 =	vpop (erf)  }
0x45: {  	v30 =	vpop (erf)  }
0x46: {  	v31 =	vpop (erf)  }
0x47: {  	v9 =	vadd.f32 v49, v9;
	v61 =	vpop (erf)  }
0x48: {  	v32 =	vpop (erf)  }
0x49: {  	v7 =	vadd.f32 v52, v7;
	v9 =	vadd.f32 v59, v9;
	v62 =	vpop (erf)  }
0x4a: {  	v2 =	vadd.f32 v10, v2;
	v8 =	vadd.f32 v53, v8;
	v63 =	vpop (erf)  }
0x4b: {  	v7 =	vadd.f32 v28, v7;
	v9 =	vadd.f32 v63, v9  }
0x4c: {  	v6 =	vadd.f32 v45, v6;
	v2 =	vadd.f32 v54, v2  }
0x4d: {  	v8 =	vadd.f32 v29, v8;
	v7 =	vadd.f32 v7, v9  }
0x4e: {  	v4 =	vadd.f32 v46, v4;
	v6 =	vadd.f32 v55, v6  }
0x4f: {  	v2 =	vadd.f32 v30, v2;
	v7 =	vadd.f32 v8, v7  }
0x50: {  	v5 =	vadd.f32 v47, v5;
	v4 =	vadd.f32 v56, v4  }
0x51: {  	v6 =	vadd.f32 v31, v6;
	v2 =	vadd.f32 v2, v7  }
0x52: {  	v3 =	vadd.f32 v48, v3;
	v5 =	vadd.f32 v57, v5  }
0x53: {  	v4 =	vadd.f32 v61, v4;
	v2 =	vadd.f32 v6, v2  }
0x54: {  	v3 =	vadd.f32 v58, v3  }
0x55: {  	v5 =	vadd.f32 v32, v5;
	v2 =	vadd.f32 v4, v2  }
0x56: {  	v0 =	vadd.f32 v50, v0  }
0x57: {  	v3 =	vadd.f32 v62, v3;
	v2 =	vadd.f32 v5, v2  }
0x58: {  	v1 =	vadd.f32 v51, v1  }
0x59: {  	v0 =	vadd.f32 v60, v0;
	v2 =	vadd.f32 v3, v2;
	_ =	sdelay $0x1  }
0x5a: {  	v1 =	vadd.f32 v27, v1;
	v0 =	vadd.f32 v0, v2;
	_ =	sdelay $0x1  }
0x5b: {  	s10 =	sadd.s32 $0x1, s10;
	v0 =	vadd.f32 v1, v0  }
0x5c: {  	p0 =	sne.s32 s10, s5  }
.Ltmp1:
0x5d: {  	[tilespmem:$0x18700] =	vst v0;
	(pc) =	sbr.rel @p0 .LBB2_1-.Ltmp1, $4  }
0x5e: {  	[hbm4b:s4+s2] =	stream.linear.scatter [tilespmem:s9], [sflag:$0x1], $0x80, $0x38;
	[tilespmem:$0x18780] =	vst v63  }
0x5f: {  	_ =	swait.ge [sflag:s8], $0x80  }
0x60: {  	[sflag:s8] =	ssyncset.done $0x0  }
0x61: {  	[sflag:s8] =	ssyncadd.s32 $0xFFFFFF80  }
0x62: {  	_ =	sfence.sel $0x180000  }
0x63: {  	[bflag:$0x0] =	sbarrier.arrive $0xFFFF  }
0x64: {  	p0 =	sne.s32 s1, $0x0;
	_ =	strace $0x90000047  }
0x65: {  	s0 =	sadd.s32 @!p0 $0x100000, s0;
	[bflag:$0x2] =	sbarrier.arrive $0xFFFF  }
0x66: {  	[sflag:s0] =	ssyncadd.tile.s32 @!p0 $0x1;
	_ =	shalt  }
.Lfunc_end2:
_tile_overlayer_lowered:
.L_overlay_start_2:
0x67: {  	(tag) =	ssettag $0x2  }
0x68: {  	s0 =	rddreg [dreg:$0x0];
	s2 =	stileid.u32  }
0x69: {  	s1 =	rddreg [dreg:$0x1];
	p0 =	sne.s32 s2, $0x0  }
0x6a: {  	s3 =	rddreg [dreg:$0x2];
	[bflag:$0x3] =	sbarrier.arrive $0xFFFF;
	s2 =	simm.s32 @!p0 $0x1C01  }
0x6b: {  	[timem:s3], [sflag:s2] =	dma.local @!p0 [hbm:s0], s1  }
0x6c: {  	s0 =	simm.s32 @!p0 $0x1  }
0x6d: {  	_ =	swait.ge @!p0 [sflag:s0], s1  }
0x6e: {  	s1 =	ssub.s32 @!p0 $0x0, s1;
	[sflag:s0] =	ssyncset.done @!p0 $0x0  }
0x6f: {  	[sflag:s0] =	ssyncadd.s32 @!p0 s1  }
0x70: {  	[bflag:$0x3] =	sbarrier.arrive $0xFFFF  }
0x71: {  	_ =	shalt  }

</sc_bundles>
